<compile_context>
chip_gen: v7x
topology: tpu7x:2x2x1
jax: 0.10.2.dev20260603
libtpu: 0.0.44.dev20260713+nightly
codegen_flags: <defaults>
</compile_context>

<pallas_src>
import functools

import jax
import jax.numpy as jnp
from jax import lax
from jax.experimental import pallas as pl
from jax.experimental.pallas import tpu as pltpu
from jax.experimental.pallas import tpu_sc as plsc

EPS = 1e-05
NC = 2
NS = 16
NW = NC * NS


def _sc_gather(idx_tabs):
    n = len(idx_tabs)
    B = idx_tabs[0][0].shape[0] * 128
    bpw = B // NW
    nq = bpw // 128

    mesh = plsc.VectorSubcoreMesh(core_axis_name="c", subcore_axis_name="s",
                                  num_cores=NC, num_subcores=NS)

    @functools.partial(
        pl.kernel,
        out_type=tuple(
            jax.ShapeDtypeStruct((B, 128), jnp.float32) for _ in range(n)),
        mesh=mesh,
        scratch_types=(
            [pltpu.VMEM((nq, 128), jnp.int32) for _ in range(n)]
            + [pltpu.VMEM((128, 128), jnp.float32) for _ in range(n)]
            + [pltpu.SemaphoreType.DMA]
        ),
    )
    def k(*refs):
        idx_h = refs[:n]
        tab_h = refs[n:2 * n]
        outs = refs[2 * n:3 * n]
        idx_v = refs[3 * n:4 * n]
        bufs = refs[4 * n:5 * n]
        sem = refs[5 * n]
        wid = lax.axis_index("s") * NC + lax.axis_index("c")
        for s in range(n):
            pltpu.sync_copy(idx_h[s].at[pl.ds(wid * nq, nq)], idx_v[s])
        for q in range(nq):
            cps = [
                pltpu.async_copy(tab_h[s].at[idx_v[s].at[q]], bufs[s], sem)
                for s in range(n)
            ]
            for cp in cps:
                cp.wait()
            row0 = wid * bpw + q * 128
            for s in range(n):
                pltpu.sync_copy(bufs[s], outs[s].at[pl.ds(row0, 128)])

    return k(*[it[0] for it in idx_tabs], *[it[1] for it in idx_tabs])


def _tc_math_body(u_ref, l_ref, p_ref, b_ref, us_ref, ls_ref, ps_ref,
                  bl_ref, g_ref, o_ref):
    def ext(x, s):
        w0 = x[:, 0:32]
        w1 = x[:, 32:64]
        w2 = x[:, 64:96]
        w3 = x[:, 96:128]
        return jnp.where(s == 0, w0,
                         jnp.where(s == 1, w1, jnp.where(s == 2, w2, w3)))

    ue = ext(u_ref[...], us_ref[...])
    le = ext(l_ref[...], ls_ref[...])
    pe = ext(p_ref[...], ps_ref[...])
    lane = lax.broadcasted_iota(jnp.int32, (1, 128), 1)
    bias = jnp.sum(jnp.where(bl_ref[...] == lane, b_ref[...], 0.0),
                   axis=1, keepdims=True)
    v = ue + le + g_ref[...] + EPS
    p = pe + EPS
    s_v = jnp.sum(v * v, axis=1, keepdims=True)
    s_p = jnp.sum(p * p, axis=1, keepdims=True)
    vp = jnp.sum(v * p, axis=1, keepdims=True)
    nv = jnp.sqrt(s_v)
    np_ = jnp.sqrt(s_p)
    a = jnp.minimum(jnp.tanh(nv), 1.0 - EPS) / nv
    b = jnp.minimum(jnp.tanh(np_), 1.0 - EPS) / np_
    nx = jnp.clip(a * a * s_v, 0.0, 1.0 - 1e-06)
    ny = jnp.clip(b * b * s_p, 0.0, 1.0 - 1e-06)
    dd = jnp.maximum(a * a * s_v + b * b * s_p - 2.0 * a * b * vp, 0.0)
    t = 1.0 + 2.0 * (dd / ((1.0 - nx) * (1.0 - ny)))
    dist = jnp.log(t + jnp.sqrt(jnp.maximum(t * t - 1.0, 0.0)))
    o_ref[...] = -dist + bias


def _tc_math(u128, l128, p128, b128, usel, lsel, psel, blane, gt):
    B = u128.shape[0]
    blk = 512
    grid = (B // blk,)
    row_spec = pl.BlockSpec((blk, 128), lambda i: (i, 0))
    col_spec = pl.BlockSpec((blk, 1), lambda i: (i, 0))
    return pl.pallas_call(
        _tc_math_body,
        grid=grid,
        in_specs=[row_spec, row_spec, row_spec, row_spec,
                  col_spec, col_spec, col_spec, col_spec,
                  pl.BlockSpec((1, 32), lambda i: (0, 0))],
        out_specs=col_spec,
        out_shape=jax.ShapeDtypeStruct((B, 1), jnp.float32),
    )(u128, l128, p128, b128, usel, lsel, psel, blane, gt)


def kernel(user_ids, last_items, pre_items, user_table, item_table,
           global_transition, item_biases):
    B = user_ids.shape[0]
    uid = user_ids.astype(jnp.int32)
    lid = last_items.astype(jnp.int32)
    pid = pre_items.astype(jnp.int32)
    lidx2 = (lid >> 2).reshape(B // 128, 128)
    pidx2 = (pid >> 2).reshape(B // 128, 128)
    bidx2 = (pid >> 7).reshape(B // 128, 128)
    uidx2 = (uid >> 2).reshape(B // 128, 128)
    nbias = item_biases.shape[0]
    pad = (-nbias) % 128
    bias2 = jnp.concatenate(
        [item_biases.reshape(-1), jnp.zeros((pad,), jnp.float32)]
    ).reshape((nbias + pad) // 128, 128)
    V, D = item_table.shape
    it2 = item_table.reshape(V * D // 128, 128)
    ut2 = user_table.reshape(V * D // 128, 128)
    u128, l128, p128, b128 = _sc_gather(
        [(uidx2, ut2), (lidx2, it2), (pidx2, it2), (bidx2, bias2)])
    out = _tc_math(u128, l128, p128, b128,
                   (uid & 3).reshape(B, 1), (lid & 3).reshape(B, 1),
                   (pid & 3).reshape(B, 1), (pid & 127).reshape(B, 1),
                   global_transition)
    return out.reshape(B)

# --- scband reference (transcript-rebuilt; emitter-appended) ---
"""Pipeline reference for scband-htrans-rec-89232240542400 (READ-ONLY COPY).

The authoritative reference and input builder live on the scoring server;
editing this copy changes nothing except your own understanding.
"""

import jax, jax.numpy as jnp
import numpy as np

EPS = 1e-05

def _renorm_rows(x, maxnorm):
    n = jnp.sqrt(jnp.sum(x * x, axis=1, keepdims=True))
    scale = jnp.where(n > maxnorm, maxnorm / n, jnp.ones_like(n))
    return x * scale

def _th_atanh(x, eps):
    v = jnp.minimum(x, 1.0 - eps)
    return 0.5 * (jnp.log(1.0 + v + eps) - jnp.log(1.0 - v + eps))

def _exp_map_zero(v, eps=EPS):
    v = v + eps
    nv = jnp.sqrt(jnp.sum(v * v, axis=1, keepdims=True))
    res = jnp.tanh(nv) * v / nv
    return _renorm_rows(res, 1.0 - eps)

def _log_map_zero(y, eps=EPS):
    diff = y + eps
    nd = jnp.sqrt(jnp.sum(diff * diff, axis=1, keepdims=True))
    return _th_atanh(nd, eps) * -diff / nd

def _hyper_distance(x, y):
    nx = jnp.clip(jnp.sum(jnp.square(x), axis=-1), 0.0, 1.0 - 1e-06)
    ny = jnp.clip(jnp.sum(jnp.square(y), axis=-1), 0.0, 1.0 - 1e-06)
    d = jnp.sum(jnp.square(x - y), axis=-1)
    t = 1.0 + 2.0 * (d / ((1.0 - nx) * (1.0 - ny)))
    return jnp.log(t + jnp.sqrt(t * t - 1.0))

def setup_inputs(seed: int = 0):
    key = jax.random.key(seed)
    ks = jax.random.split(key, 7)
    num_users = 1000000; num_items = 1000000; d = 32; B = 16384
    return {
        "user_ids": jax.random.randint(ks[0], (B,), 0, num_users, dtype=jnp.int64) if jax.config.jax_enable_x64 else jax.random.randint(ks[0], (B,), 0, num_users),
        "last_items": jax.random.randint(ks[1], (B,), 0, num_items),
        "pre_items": jax.random.randint(ks[2], (B,), 0, num_items),
        "user_table": jax.random.uniform(ks[3], (num_users, d), jnp.float32, -0.05, 0.05),
        "item_table": jax.random.uniform(ks[4], (num_items, d), jnp.float32, -0.05, 0.05),
        "global_transition": jax.random.uniform(ks[5], (1, d), jnp.float32, -0.05, 0.05),
        "item_biases": jax.random.uniform(ks[6], (num_items, 1), jnp.float32, -0.01, 0.01),
    }

def reference(user_ids, last_items, pre_items, user_table, item_table, global_transition, item_biases):
    user_embs = jnp.take(user_table, user_ids, axis=0)
    last_item_embs = jnp.take(item_table, last_items, axis=0)
    pre_item_embs = jnp.take(item_table, pre_items, axis=0)
    pre_item_bias = jnp.take(item_biases, pre_items, axis=0)
    transed_emb = user_embs + global_transition + last_item_embs
    transed_emb = _exp_map_zero(transed_emb)
    pre_item_h = _exp_map_zero(pre_item_embs)
    hat_y = -_hyper_distance(transed_emb, pre_item_h) + jnp.squeeze(pre_item_bias)
    # Original forward computes log_map_zero on both (results discarded); kept for faithfulness.
    _ = _log_map_zero(transed_emb)
    _ = _log_map_zero(pre_item_h)
    return hat_y

if __name__ == "__main__":
    import jax
    _d = setup_inputs()
    print(jax.jit(kernel)(*tuple(_d.values())))

</pallas_src>

<mosaic_0001>
#map = affine_map<(d0, d1) -> (0, 0)>
module attributes {stable_mosaic.version = 14 : i64} {
  func.func @k(%arg0: i32, %arg1: i32, %arg2: memref<128x128xi32, #tpu.memory_space<hbm>>, %arg3: memref<128x128xi32, #tpu.memory_space<hbm>>, %arg4: memref<128x128xi32, #tpu.memory_space<hbm>>, %arg5: memref<128x128xi32, #tpu.memory_space<hbm>>, %arg6: memref<250000x128xf32, #tpu.memory_space<hbm>>, %arg7: memref<250000x128xf32, #tpu.memory_space<hbm>>, %arg8: memref<250000x128xf32, #tpu.memory_space<hbm>>, %arg9: memref<7813x128xf32, #tpu.memory_space<hbm>>, %arg10: memref<16384x128xf32, #tpu.memory_space<hbm>>, %arg11: memref<16384x128xf32, #tpu.memory_space<hbm>>, %arg12: memref<16384x128xf32, #tpu.memory_space<hbm>>, %arg13: memref<16384x128xf32, #tpu.memory_space<hbm>>, %arg14: memref<4x128xi32, #tpu.memory_space<vmem>>, %arg15: memref<4x128xi32, #tpu.memory_space<vmem>>, %arg16: memref<4x128xi32, #tpu.memory_space<vmem>>, %arg17: memref<4x128xi32, #tpu.memory_space<vmem>>, %arg18: memref<128x128xf32, #tpu.memory_space<vmem>>, %arg19: memref<128x128xf32, #tpu.memory_space<vmem>>, %arg20: memref<128x128xf32, #tpu.memory_space<vmem>>, %arg21: memref<128x128xf32, #tpu.memory_space<vmem>>, %arg22: memref<!tpu.dma_semaphore, #tpu.memory_space<semaphore_mem>>) attributes {dimension_semantics = [#tpu.dimension_semantics<core_parallel>, #tpu.dimension_semantics<subcore_parallel>], iteration_bounds = array<i64: 2, 16>, scalar_prefetch = 0 : i64, scratch_operands = 9 : i64, tpu.core_type = #tpu.core_type<sc_vector_subcore>, window_params = [{transform_indices = #map}, {transform_indices = #map}, {transform_indices = #map}, {transform_indices = #map}, {transform_indices = #map}, {transform_indices = #map}, {transform_indices = #map}, {transform_indices = #map}, {transform_indices = #map}, {transform_indices = #map}, {transform_indices = #map}, {transform_indices = #map}]} {
    %mul3A = arith.constant 2 : i32
    %mul3A_0 = arith.muli %arg1, %mul3A : i32
    %add3A = arith.addi %mul3A_0, %arg0 : i32
    %mul3A_1 = arith.constant 4 : i32
    %mul3A_2 = arith.muli %add3A, %mul3A_1 : i32
    "tpu.region"() ({
      %run_scoped3A = tpu.sem_alloc : memref<!tpu.dma_semaphore, #tpu.memory_space<semaphore_mem>>
      %dma_start3A_247 = arith.constant 0 : i32
      %dma_start3A_248 = tpu.memref_slice %arg2[%mul3A_2, %dma_start3A_247] : memref<128x128xi32, #tpu.memory_space<hbm>> -> memref<4x128xi32, #tpu.memory_space<hbm>>
      %dma_start3A_249 = arith.constant 0 : i32
      %dma_start3A_250 = tpu.memref_slice %arg2[%mul3A_2, %dma_start3A_249] : memref<128x128xi32, #tpu.memory_space<hbm>> -> memref<4x128xi32, #tpu.memory_space<hbm>>
      tpu.enqueue_dma source(%dma_start3A_250 : memref<4x128xi32, #tpu.memory_space<hbm>>) target(%arg14 : memref<4x128xi32, #tpu.memory_space<vmem>>) target_semaphore(%run_scoped3A : memref<!tpu.dma_semaphore, #tpu.memory_space<semaphore_mem>>)
      %dma_wait3A_251 = arith.constant 0 : i32
      %dma_wait3A_252 = tpu.memref_slice %arg2[%mul3A_2, %dma_wait3A_251] : memref<128x128xi32, #tpu.memory_space<hbm>> -> memref<4x128xi32, #tpu.memory_space<hbm>>
      %dma_wait3A_253 = arith.constant 0 : i32
      %dma_wait3A_254 = tpu.memref_slice %arg2[%mul3A_2, %dma_wait3A_253] : memref<128x128xi32, #tpu.memory_space<hbm>> -> memref<4x128xi32, #tpu.memory_space<hbm>>
      tpu.wait_dma2 semaphore(%run_scoped3A : memref<!tpu.dma_semaphore, #tpu.memory_space<semaphore_mem>>) src(%dma_wait3A_254 : memref<4x128xi32, #tpu.memory_space<hbm>>) dst(%arg14 : memref<4x128xi32, #tpu.memory_space<vmem>>)
      tpu.yield
    }) : () -> ()
    %mul3A_3 = arith.constant 4 : i32
    %mul3A_4 = arith.muli %add3A, %mul3A_3 : i32
    "tpu.region"() ({
      %run_scoped3A = tpu.sem_alloc : memref<!tpu.dma_semaphore, #tpu.memory_space<semaphore_mem>>
      %dma_start3A_247 = arith.constant 0 : i32
      %dma_start3A_248 = tpu.memref_slice %arg3[%mul3A_4, %dma_start3A_247] : memref<128x128xi32, #tpu.memory_space<hbm>> -> memref<4x128xi32, #tpu.memory_space<hbm>>
      %dma_start3A_249 = arith.constant 0 : i32
      %dma_start3A_250 = tpu.memref_slice %arg3[%mul3A_4, %dma_start3A_249] : memref<128x128xi32, #tpu.memory_space<hbm>> -> memref<4x128xi32, #tpu.memory_space<hbm>>
      tpu.enqueue_dma source(%dma_start3A_250 : memref<4x128xi32, #tpu.memory_space<hbm>>) target(%arg15 : memref<4x128xi32, #tpu.memory_space<vmem>>) target_semaphore(%run_scoped3A : memref<!tpu.dma_semaphore, #tpu.memory_space<semaphore_mem>>)
      %dma_wait3A_251 = arith.constant 0 : i32
      %dma_wait3A_252 = tpu.memref_slice %arg3[%mul3A_4, %dma_wait3A_251] : memref<128x128xi32, #tpu.memory_space<hbm>> -> memref<4x128xi32, #tpu.memory_space<hbm>>
      %dma_wait3A_253 = arith.constant 0 : i32
      %dma_wait3A_254 = tpu.memref_slice %arg3[%mul3A_4, %dma_wait3A_253] : memref<128x128xi32, #tpu.memory_space<hbm>> -> memref<4x128xi32, #tpu.memory_space<hbm>>
      tpu.wait_dma2 semaphore(%run_scoped3A : memref<!tpu.dma_semaphore, #tpu.memory_space<semaphore_mem>>) src(%dma_wait3A_254 : memref<4x128xi32, #tpu.memory_space<hbm>>) dst(%arg15 : memref<4x128xi32, #tpu.memory_space<vmem>>)
      tpu.yield
    }) : () -> ()
    %mul3A_5 = arith.constant 4 : i32
    %mul3A_6 = arith.muli %add3A, %mul3A_5 : i32
    "tpu.region"() ({
      %run_scoped3A = tpu.sem_alloc : memref<!tpu.dma_semaphore, #tpu.memory_space<semaphore_mem>>
      %dma_start3A_247 = arith.constant 0 : i32
      %dma_start3A_248 = tpu.memref_slice %arg4[%mul3A_6, %dma_start3A_247] : memref<128x128xi32, #tpu.memory_space<hbm>> -> memref<4x128xi32, #tpu.memory_space<hbm>>
      %dma_start3A_249 = arith.constant 0 : i32
      %dma_start3A_250 = tpu.memref_slice %arg4[%mul3A_6, %dma_start3A_249] : memref<128x128xi32, #tpu.memory_space<hbm>> -> memref<4x128xi32, #tpu.memory_space<hbm>>
      tpu.enqueue_dma source(%dma_start3A_250 : memref<4x128xi32, #tpu.memory_space<hbm>>) target(%arg16 : memref<4x128xi32, #tpu.memory_space<vmem>>) target_semaphore(%run_scoped3A : memref<!tpu.dma_semaphore, #tpu.memory_space<semaphore_mem>>)
      %dma_wait3A_251 = arith.constant 0 : i32
      %dma_wait3A_252 = tpu.memref_slice %arg4[%mul3A_6, %dma_wait3A_251] : memref<128x128xi32, #tpu.memory_space<hbm>> -> memref<4x128xi32, #tpu.memory_space<hbm>>
      %dma_wait3A_253 = arith.constant 0 : i32
      %dma_wait3A_254 = tpu.memref_slice %arg4[%mul3A_6, %dma_wait3A_253] : memref<128x128xi32, #tpu.memory_space<hbm>> -> memref<4x128xi32, #tpu.memory_space<hbm>>
      tpu.wait_dma2 semaphore(%run_scoped3A : memref<!tpu.dma_semaphore, #tpu.memory_space<semaphore_mem>>) src(%dma_wait3A_254 : memref<4x128xi32, #tpu.memory_space<hbm>>) dst(%arg16 : memref<4x128xi32, #tpu.memory_space<vmem>>)
      tpu.yield
    }) : () -> ()
    %mul3A_7 = arith.constant 4 : i32
    %mul3A_8 = arith.muli %add3A, %mul3A_7 : i32
    "tpu.region"() ({
      %run_scoped3A = tpu.sem_alloc : memref<!tpu.dma_semaphore, #tpu.memory_space<semaphore_mem>>
      %dma_start3A_247 = arith.constant 0 : i32
      %dma_start3A_248 = tpu.memref_slice %arg5[%mul3A_8, %dma_start3A_247] : memref<128x128xi32, #tpu.memory_space<hbm>> -> memref<4x128xi32, #tpu.memory_space<hbm>>
      %dma_start3A_249 = arith.constant 0 : i32
      %dma_start3A_250 = tpu.memref_slice %arg5[%mul3A_8, %dma_start3A_249] : memref<128x128xi32, #tpu.memory_space<hbm>> -> memref<4x128xi32, #tpu.memory_space<hbm>>
      tpu.enqueue_dma source(%dma_start3A_250 : memref<4x128xi32, #tpu.memory_space<hbm>>) target(%arg17 : memref<4x128xi32, #tpu.memory_space<vmem>>) target_semaphore(%run_scoped3A : memref<!tpu.dma_semaphore, #tpu.memory_space<semaphore_mem>>)
      %dma_wait3A_251 = arith.constant 0 : i32
      %dma_wait3A_252 = tpu.memref_slice %arg5[%mul3A_8, %dma_wait3A_251] : memref<128x128xi32, #tpu.memory_space<hbm>> -> memref<4x128xi32, #tpu.memory_space<hbm>>
      %dma_wait3A_253 = arith.constant 0 : i32
      %dma_wait3A_254 = tpu.memref_slice %arg5[%mul3A_8, %dma_wait3A_253] : memref<128x128xi32, #tpu.memory_space<hbm>> -> memref<4x128xi32, #tpu.memory_space<hbm>>
      tpu.wait_dma2 semaphore(%run_scoped3A : memref<!tpu.dma_semaphore, #tpu.memory_space<semaphore_mem>>) src(%dma_wait3A_254 : memref<4x128xi32, #tpu.memory_space<hbm>>) dst(%arg17 : memref<4x128xi32, #tpu.memory_space<vmem>>)
      tpu.yield
    }) : () -> ()
    %dma_start3A = arith.constant 0 : i32
    %dma_start3A_9 = arith.constant 0 : i32
    %dma_start3A_10 = tpu.memref_slice %arg14[%dma_start3A, %dma_start3A_9] : memref<4x128xi32, #tpu.memory_space<vmem>> -> memref<1x128xi32, #tpu.memory_space<vmem>>
    %dma_start3A_11 = tpu.memref_squeeze %dma_start3A_10 : memref<1x128xi32, #tpu.memory_space<vmem>> -> memref<128xi32, #tpu.memory_space<vmem>>
    %dma_start3A_12 = arith.constant 0 : i32
    %dma_start3A_13 = arith.constant 0 : i32
    %dma_start3A_14 = tpu.memref_slice %arg6[%dma_start3A_12, %dma_start3A_13] : memref<250000x128xf32, #tpu.memory_space<hbm>> -> memref<250000x128xf32, #tpu.memory_space<hbm>>
    tpu.enqueue_indirect_dma source(%dma_start3A_14 : memref<250000x128xf32, #tpu.memory_space<hbm>>) target(%arg18 : memref<128x128xf32, #tpu.memory_space<vmem>>) offsets(%dma_start3A_11 : memref<128xi32, #tpu.memory_space<vmem>>) semaphore(%arg22 : memref<!tpu.dma_semaphore, #tpu.memory_space<semaphore_mem>>)
    %dma_start3A_15 = arith.constant 0 : i32
    %dma_start3A_16 = arith.constant 0 : i32
    %dma_start3A_17 = tpu.memref_slice %arg15[%dma_start3A_15, %dma_start3A_16] : memref<4x128xi32, #tpu.memory_space<vmem>> -> memref<1x128xi32, #tpu.memory_space<vmem>>
    %dma_start3A_18 = tpu.memref_squeeze %dma_start3A_17 : memref<1x128xi32, #tpu.memory_space<vmem>> -> memref<128xi32, #tpu.memory_space<vmem>>
    %dma_start3A_19 = arith.constant 0 : i32
    %dma_start3A_20 = arith.constant 0 : i32
    %dma_start3A_21 = tpu.memref_slice %arg7[%dma_start3A_19, %dma_start3A_20] : memref<250000x128xf32, #tpu.memory_space<hbm>> -> memref<250000x128xf32, #tpu.memory_space<hbm>>
    tpu.enqueue_indirect_dma source(%dma_start3A_21 : memref<250000x128xf32, #tpu.memory_space<hbm>>) target(%arg19 : memref<128x128xf32, #tpu.memory_space<vmem>>) offsets(%dma_start3A_18 : memref<128xi32, #tpu.memory_space<vmem>>) semaphore(%arg22 : memref<!tpu.dma_semaphore, #tpu.memory_space<semaphore_mem>>)
    %dma_start3A_22 = arith.constant 0 : i32
    %dma_start3A_23 = arith.constant 0 : i32
    %dma_start3A_24 = tpu.memref_slice %arg16[%dma_start3A_22, %dma_start3A_23] : memref<4x128xi32, #tpu.memory_space<vmem>> -> memref<1x128xi32, #tpu.memory_space<vmem>>
    %dma_start3A_25 = tpu.memref_squeeze %dma_start3A_24 : memref<1x128xi32, #tpu.memory_space<vmem>> -> memref<128xi32, #tpu.memory_space<vmem>>
    %dma_start3A_26 = arith.constant 0 : i32
    %dma_start3A_27 = arith.constant 0 : i32
    %dma_start3A_28 = tpu.memref_slice %arg8[%dma_start3A_26, %dma_start3A_27] : memref<250000x128xf32, #tpu.memory_space<hbm>> -> memref<250000x128xf32, #tpu.memory_space<hbm>>
    tpu.enqueue_indirect_dma source(%dma_start3A_28 : memref<250000x128xf32, #tpu.memory_space<hbm>>) target(%arg20 : memref<128x128xf32, #tpu.memory_space<vmem>>) offsets(%dma_start3A_25 : memref<128xi32, #tpu.memory_space<vmem>>) semaphore(%arg22 : memref<!tpu.dma_semaphore, #tpu.memory_space<semaphore_mem>>)
    %dma_start3A_29 = arith.constant 0 : i32
    %dma_start3A_30 = arith.constant 0 : i32
    %dma_start3A_31 = tpu.memref_slice %arg17[%dma_start3A_29, %dma_start3A_30] : memref<4x128xi32, #tpu.memory_space<vmem>> -> memref<1x128xi32, #tpu.memory_space<vmem>>
    %dma_start3A_32 = tpu.memref_squeeze %dma_start3A_31 : memref<1x128xi32, #tpu.memory_space<vmem>> -> memref<128xi32, #tpu.memory_space<vmem>>
    %dma_start3A_33 = arith.constant 0 : i32
    %dma_start3A_34 = arith.constant 0 : i32
    %dma_start3A_35 = tpu.memref_slice %arg9[%dma_start3A_33, %dma_start3A_34] : memref<7813x128xf32, #tpu.memory_space<hbm>> -> memref<7813x128xf32, #tpu.memory_space<hbm>>
    tpu.enqueue_indirect_dma source(%dma_start3A_35 : memref<7813x128xf32, #tpu.memory_space<hbm>>) target(%arg21 : memref<128x128xf32, #tpu.memory_space<vmem>>) offsets(%dma_start3A_32 : memref<128xi32, #tpu.memory_space<vmem>>) semaphore(%arg22 : memref<!tpu.dma_semaphore, #tpu.memory_space<semaphore_mem>>)
    %dma_wait3A = arith.constant 0 : i32
    %dma_wait3A_36 = arith.constant 0 : i32
    %dma_wait3A_37 = tpu.memref_slice %arg14[%dma_wait3A, %dma_wait3A_36] : memref<4x128xi32, #tpu.memory_space<vmem>> -> memref<1x128xi32, #tpu.memory_space<vmem>>
    %dma_wait3A_38 = tpu.memref_squeeze %dma_wait3A_37 : memref<1x128xi32, #tpu.memory_space<vmem>> -> memref<128xi32, #tpu.memory_space<vmem>>
    %dma_wait3A_39 = arith.constant 0 : i32
    %dma_wait3A_40 = arith.constant 0 : i32
    %dma_wait3A_41 = tpu.memref_slice %arg6[%dma_wait3A_39, %dma_wait3A_40] : memref<250000x128xf32, #tpu.memory_space<hbm>> -> memref<250000x128xf32, #tpu.memory_space<hbm>>
    tpu.wait_indirect_dma semaphore(%arg22 : memref<!tpu.dma_semaphore, #tpu.memory_space<semaphore_mem>>) src(%dma_wait3A_41 : memref<250000x128xf32, #tpu.memory_space<hbm>>) dst(%arg18 : memref<128x128xf32, #tpu.memory_space<vmem>>)
    %dma_wait3A_42 = arith.constant 0 : i32
    %dma_wait3A_43 = arith.constant 0 : i32
    %dma_wait3A_44 = tpu.memref_slice %arg15[%dma_wait3A_42, %dma_wait3A_43] : memref<4x128xi32, #tpu.memory_space<vmem>> -> memref<1x128xi32, #tpu.memory_space<vmem>>
    %dma_wait3A_45 = tpu.memref_squeeze %dma_wait3A_44 : memref<1x128xi32, #tpu.memory_space<vmem>> -> memref<128xi32, #tpu.memory_space<vmem>>
    %dma_wait3A_46 = arith.constant 0 : i32
    %dma_wait3A_47 = arith.constant 0 : i32
    %dma_wait3A_48 = tpu.memref_slice %arg7[%dma_wait3A_46, %dma_wait3A_47] : memref<250000x128xf32, #tpu.memory_space<hbm>> -> memref<250000x128xf32, #tpu.memory_space<hbm>>
    tpu.wait_indirect_dma semaphore(%arg22 : memref<!tpu.dma_semaphore, #tpu.memory_space<semaphore_mem>>) src(%dma_wait3A_48 : memref<250000x128xf32, #tpu.memory_space<hbm>>) dst(%arg19 : memref<128x128xf32, #tpu.memory_space<vmem>>)
    %dma_wait3A_49 = arith.constant 0 : i32
    %dma_wait3A_50 = arith.constant 0 : i32
    %dma_wait3A_51 = tpu.memref_slice %arg16[%dma_wait3A_49, %dma_wait3A_50] : memref<4x128xi32, #tpu.memory_space<vmem>> -> memref<1x128xi32, #tpu.memory_space<vmem>>
    %dma_wait3A_52 = tpu.memref_squeeze %dma_wait3A_51 : memref<1x128xi32, #tpu.memory_space<vmem>> -> memref<128xi32, #tpu.memory_space<vmem>>
    %dma_wait3A_53 = arith.constant 0 : i32
    %dma_wait3A_54 = arith.constant 0 : i32
    %dma_wait3A_55 = tpu.memref_slice %arg8[%dma_wait3A_53, %dma_wait3A_54] : memref<250000x128xf32, #tpu.memory_space<hbm>> -> memref<250000x128xf32, #tpu.memory_space<hbm>>
    tpu.wait_indirect_dma semaphore(%arg22 : memref<!tpu.dma_semaphore, #tpu.memory_space<semaphore_mem>>) src(%dma_wait3A_55 : memref<250000x128xf32, #tpu.memory_space<hbm>>) dst(%arg20 : memref<128x128xf32, #tpu.memory_space<vmem>>)
    %dma_wait3A_56 = arith.constant 0 : i32
    %dma_wait3A_57 = arith.constant 0 : i32
    %dma_wait3A_58 = tpu.memref_slice %arg17[%dma_wait3A_56, %dma_wait3A_57] : memref<4x128xi32, #tpu.memory_space<vmem>> -> memref<1x128xi32, #tpu.memory_space<vmem>>
    %dma_wait3A_59 = tpu.memref_squeeze %dma_wait3A_58 : memref<1x128xi32, #tpu.memory_space<vmem>> -> memref<128xi32, #tpu.memory_space<vmem>>
    %dma_wait3A_60 = arith.constant 0 : i32
    %dma_wait3A_61 = arith.constant 0 : i32
    %dma_wait3A_62 = tpu.memref_slice %arg9[%dma_wait3A_60, %dma_wait3A_61] : memref<7813x128xf32, #tpu.memory_space<hbm>> -> memref<7813x128xf32, #tpu.memory_space<hbm>>
    tpu.wait_indirect_dma semaphore(%arg22 : memref<!tpu.dma_semaphore, #tpu.memory_space<semaphore_mem>>) src(%dma_wait3A_62 : memref<7813x128xf32, #tpu.memory_space<hbm>>) dst(%arg21 : memref<128x128xf32, #tpu.memory_space<vmem>>)
    %mul3A_63 = arith.constant 512 : i32
    %mul3A_64 = arith.muli %add3A, %mul3A_63 : i32
    %add3A_65 = arith.constant 0 : i32
    %add3A_66 = arith.addi %mul3A_64, %add3A_65 : i32
    "tpu.region"() ({
      %run_scoped3A = tpu.sem_alloc : memref<!tpu.dma_semaphore, #tpu.memory_space<semaphore_mem>>
      %dma_start3A_247 = arith.constant 0 : i32
      %dma_start3A_248 = tpu.memref_slice %arg10[%add3A_66, %dma_start3A_247] : memref<16384x128xf32, #tpu.memory_space<hbm>> -> memref<128x128xf32, #tpu.memory_space<hbm>>
      %dma_start3A_249 = arith.constant 0 : i32
      %dma_start3A_250 = tpu.memref_slice %arg10[%add3A_66, %dma_start3A_249] : memref<16384x128xf32, #tpu.memory_space<hbm>> -> memref<128x128xf32, #tpu.memory_space<hbm>>
      tpu.enqueue_dma source(%arg18 : memref<128x128xf32, #tpu.memory_space<vmem>>) target(%dma_start3A_250 : memref<128x128xf32, #tpu.memory_space<hbm>>) target_semaphore(%run_scoped3A : memref<!tpu.dma_semaphore, #tpu.memory_space<semaphore_mem>>)
      %dma_wait3A_251 = arith.constant 0 : i32
      %dma_wait3A_252 = tpu.memref_slice %arg10[%add3A_66, %dma_wait3A_251] : memref<16384x128xf32, #tpu.memory_space<hbm>> -> memref<128x128xf32, #tpu.memory_space<hbm>>
      %dma_wait3A_253 = arith.constant 0 : i32
      %dma_wait3A_254 = tpu.memref_slice %arg10[%add3A_66, %dma_wait3A_253] : memref<16384x128xf32, #tpu.memory_space<hbm>> -> memref<128x128xf32, #tpu.memory_space<hbm>>
      tpu.wait_dma2 semaphore(%run_scoped3A : memref<!tpu.dma_semaphore, #tpu.memory_space<semaphore_mem>>) src(%arg18 : memref<128x128xf32, #tpu.memory_space<vmem>>) dst(%dma_wait3A_254 : memref<128x128xf32, #tpu.memory_space<hbm>>)
      tpu.yield
    }) : () -> ()
    "tpu.region"() ({
      %run_scoped3A = tpu.sem_alloc : memref<!tpu.dma_semaphore, #tpu.memory_space<semaphore_mem>>
      %dma_start3A_247 = arith.constant 0 : i32
      %dma_start3A_248 = tpu.memref_slice %arg11[%add3A_66, %dma_start3A_247] : memref<16384x128xf32, #tpu.memory_space<hbm>> -> memref<128x128xf32, #tpu.memory_space<hbm>>
      %dma_start3A_249 = arith.constant 0 : i32
      %dma_start3A_250 = tpu.memref_slice %arg11[%add3A_66, %dma_start3A_249] : memref<16384x128xf32, #tpu.memory_space<hbm>> -> memref<128x128xf32, #tpu.memory_space<hbm>>
      tpu.enqueue_dma source(%arg19 : memref<128x128xf32, #tpu.memory_space<vmem>>) target(%dma_start3A_250 : memref<128x128xf32, #tpu.memory_space<hbm>>) target_semaphore(%run_scoped3A : memref<!tpu.dma_semaphore, #tpu.memory_space<semaphore_mem>>)
      %dma_wait3A_251 = arith.constant 0 : i32
      %dma_wait3A_252 = tpu.memref_slice %arg11[%add3A_66, %dma_wait3A_251] : memref<16384x128xf32, #tpu.memory_space<hbm>> -> memref<128x128xf32, #tpu.memory_space<hbm>>
      %dma_wait3A_253 = arith.constant 0 : i32
      %dma_wait3A_254 = tpu.memref_slice %arg11[%add3A_66, %dma_wait3A_253] : memref<16384x128xf32, #tpu.memory_space<hbm>> -> memref<128x128xf32, #tpu.memory_space<hbm>>
      tpu.wait_dma2 semaphore(%run_scoped3A : memref<!tpu.dma_semaphore, #tpu.memory_space<semaphore_mem>>) src(%arg19 : memref<128x128xf32, #tpu.memory_space<vmem>>) dst(%dma_wait3A_254 : memref<128x128xf32, #tpu.memory_space<hbm>>)
      tpu.yield
    }) : () -> ()
    "tpu.region"() ({
      %run_scoped3A = tpu.sem_alloc : memref<!tpu.dma_semaphore, #tpu.memory_space<semaphore_mem>>
      %dma_start3A_247 = arith.constant 0 : i32
      %dma_start3A_248 = tpu.memref_slice %arg12[%add3A_66, %dma_start3A_247] : memref<16384x128xf32, #tpu.memory_space<hbm>> -> memref<128x128xf32, #tpu.memory_space<hbm>>
      %dma_start3A_249 = arith.constant 0 : i32
      %dma_start3A_250 = tpu.memref_slice %arg12[%add3A_66, %dma_start3A_249] : memref<16384x128xf32, #tpu.memory_space<hbm>> -> memref<128x128xf32, #tpu.memory_space<hbm>>
      tpu.enqueue_dma source(%arg20 : memref<128x128xf32, #tpu.memory_space<vmem>>) target(%dma_start3A_250 : memref<128x128xf32, #tpu.memory_space<hbm>>) target_semaphore(%run_scoped3A : memref<!tpu.dma_semaphore, #tpu.memory_space<semaphore_mem>>)
      %dma_wait3A_251 = arith.constant 0 : i32
      %dma_wait3A_252 = tpu.memref_slice %arg12[%add3A_66, %dma_wait3A_251] : memref<16384x128xf32, #tpu.memory_space<hbm>> -> memref<128x128xf32, #tpu.memory_space<hbm>>
      %dma_wait3A_253 = arith.constant 0 : i32
      %dma_wait3A_254 = tpu.memref_slice %arg12[%add3A_66, %dma_wait3A_253] : memref<16384x128xf32, #tpu.memory_space<hbm>> -> memref<128x128xf32, #tpu.memory_space<hbm>>
      tpu.wait_dma2 semaphore(%run_scoped3A : memref<!tpu.dma_semaphore, #tpu.memory_space<semaphore_mem>>) src(%arg20 : memref<128x128xf32, #tpu.memory_space<vmem>>) dst(%dma_wait3A_254 : memref<128x128xf32, #tpu.memory_space<hbm>>)
      tpu.yield
    }) : () -> ()
    "tpu.region"() ({
      %run_scoped3A = tpu.sem_alloc : memref<!tpu.dma_semaphore, #tpu.memory_space<semaphore_mem>>
      %dma_start3A_247 = arith.constant 0 : i32
      %dma_start3A_248 = tpu.memref_slice %arg13[%add3A_66, %dma_start3A_247] : memref<16384x128xf32, #tpu.memory_space<hbm>> -> memref<128x128xf32, #tpu.memory_space<hbm>>
      %dma_start3A_249 = arith.constant 0 : i32
      %dma_start3A_250 = tpu.memref_slice %arg13[%add3A_66, %dma_start3A_249] : memref<16384x128xf32, #tpu.memory_space<hbm>> -> memref<128x128xf32, #tpu.memory_space<hbm>>
      tpu.enqueue_dma source(%arg21 : memref<128x128xf32, #tpu.memory_space<vmem>>) target(%dma_start3A_250 : memref<128x128xf32, #tpu.memory_space<hbm>>) target_semaphore(%run_scoped3A : memref<!tpu.dma_semaphore, #tpu.memory_space<semaphore_mem>>)
      %dma_wait3A_251 = arith.constant 0 : i32
      %dma_wait3A_252 = tpu.memref_slice %arg13[%add3A_66, %dma_wait3A_251] : memref<16384x128xf32, #tpu.memory_space<hbm>> -> memref<128x128xf32, #tpu.memory_space<hbm>>
      %dma_wait3A_253 = arith.constant 0 : i32
      %dma_wait3A_254 = tpu.memref_slice %arg13[%add3A_66, %dma_wait3A_253] : memref<16384x128xf32, #tpu.memory_space<hbm>> -> memref<128x128xf32, #tpu.memory_space<hbm>>
      tpu.wait_dma2 semaphore(%run_scoped3A : memref<!tpu.dma_semaphore, #tpu.memory_space<semaphore_mem>>) src(%arg21 : memref<128x128xf32, #tpu.memory_space<vmem>>) dst(%dma_wait3A_254 : memref<128x128xf32, #tpu.memory_space<hbm>>)
      tpu.yield
    }) : () -> ()
    %dma_start3A_67 = arith.constant 1 : i32
    %dma_start3A_68 = arith.constant 0 : i32
    %dma_start3A_69 = tpu.memref_slice %arg14[%dma_start3A_67, %dma_start3A_68] : memref<4x128xi32, #tpu.memory_space<vmem>> -> memref<1x128xi32, #tpu.memory_space<vmem>>
    %dma_start3A_70 = tpu.memref_squeeze %dma_start3A_69 : memref<1x128xi32, #tpu.memory_space<vmem>> -> memref<128xi32, #tpu.memory_space<vmem>>
    %dma_start3A_71 = arith.constant 0 : i32
    %dma_start3A_72 = arith.constant 0 : i32
    %dma_start3A_73 = tpu.memref_slice %arg6[%dma_start3A_71, %dma_start3A_72] : memref<250000x128xf32, #tpu.memory_space<hbm>> -> memref<250000x128xf32, #tpu.memory_space<hbm>>
    tpu.enqueue_indirect_dma source(%dma_start3A_73 : memref<250000x128xf32, #tpu.memory_space<hbm>>) target(%arg18 : memref<128x128xf32, #tpu.memory_space<vmem>>) offsets(%dma_start3A_70 : memref<128xi32, #tpu.memory_space<vmem>>) semaphore(%arg22 : memref<!tpu.dma_semaphore, #tpu.memory_space<semaphore_mem>>)
    %dma_start3A_74 = arith.constant 1 : i32
    %dma_start3A_75 = arith.constant 0 : i32
    %dma_start3A_76 = tpu.memref_slice %arg15[%dma_start3A_74, %dma_start3A_75] : memref<4x128xi32, #tpu.memory_space<vmem>> -> memref<1x128xi32, #tpu.memory_space<vmem>>
    %dma_start3A_77 = tpu.memref_squeeze %dma_start3A_76 : memref<1x128xi32, #tpu.memory_space<vmem>> -> memref<128xi32, #tpu.memory_space<vmem>>
    %dma_start3A_78 = arith.constant 0 : i32
    %dma_start3A_79 = arith.constant 0 : i32
    %dma_start3A_80 = tpu.memref_slice %arg7[%dma_start3A_78, %dma_start3A_79] : memref<250000x128xf32, #tpu.memory_space<hbm>> -> memref<250000x128xf32, #tpu.memory_space<hbm>>
    tpu.enqueue_indirect_dma source(%dma_start3A_80 : memref<250000x128xf32, #tpu.memory_space<hbm>>) target(%arg19 : memref<128x128xf32, #tpu.memory_space<vmem>>) offsets(%dma_start3A_77 : memref<128xi32, #tpu.memory_space<vmem>>) semaphore(%arg22 : memref<!tpu.dma_semaphore, #tpu.memory_space<semaphore_mem>>)
    %dma_start3A_81 = arith.constant 1 : i32
    %dma_start3A_82 = arith.constant 0 : i32
    %dma_start3A_83 = tpu.memref_slice %arg16[%dma_start3A_81, %dma_start3A_82] : memref<4x128xi32, #tpu.memory_space<vmem>> -> memref<1x128xi32, #tpu.memory_space<vmem>>
    %dma_start3A_84 = tpu.memref_squeeze %dma_start3A_83 : memref<1x128xi32, #tpu.memory_space<vmem>> -> memref<128xi32, #tpu.memory_space<vmem>>
    %dma_start3A_85 = arith.constant 0 : i32
    %dma_start3A_86 = arith.constant 0 : i32
    %dma_start3A_87 = tpu.memref_slice %arg8[%dma_start3A_85, %dma_start3A_86] : memref<250000x128xf32, #tpu.memory_space<hbm>> -> memref<250000x128xf32, #tpu.memory_space<hbm>>
    tpu.enqueue_indirect_dma source(%dma_start3A_87 : memref<250000x128xf32, #tpu.memory_space<hbm>>) target(%arg20 : memref<128x128xf32, #tpu.memory_space<vmem>>) offsets(%dma_start3A_84 : memref<128xi32, #tpu.memory_space<vmem>>) semaphore(%arg22 : memref<!tpu.dma_semaphore, #tpu.memory_space<semaphore_mem>>)
    %dma_start3A_88 = arith.constant 1 : i32
    %dma_start3A_89 = arith.constant 0 : i32
    %dma_start3A_90 = tpu.memref_slice %arg17[%dma_start3A_88, %dma_start3A_89] : memref<4x128xi32, #tpu.memory_space<vmem>> -> memref<1x128xi32, #tpu.memory_space<vmem>>
    %dma_start3A_91 = tpu.memref_squeeze %dma_start3A_90 : memref<1x128xi32, #tpu.memory_space<vmem>> -> memref<128xi32, #tpu.memory_space<vmem>>
    %dma_start3A_92 = arith.constant 0 : i32
    %dma_start3A_93 = arith.constant 0 : i32
    %dma_start3A_94 = tpu.memref_slice %arg9[%dma_start3A_92, %dma_start3A_93] : memref<7813x128xf32, #tpu.memory_space<hbm>> -> memref<7813x128xf32, #tpu.memory_space<hbm>>
    tpu.enqueue_indirect_dma source(%dma_start3A_94 : memref<7813x128xf32, #tpu.memory_space<hbm>>) target(%arg21 : memref<128x128xf32, #tpu.memory_space<vmem>>) offsets(%dma_start3A_91 : memref<128xi32, #tpu.memory_space<vmem>>) semaphore(%arg22 : memref<!tpu.dma_semaphore, #tpu.memory_space<semaphore_mem>>)
    %dma_wait3A_95 = arith.constant 1 : i32
    %dma_wait3A_96 = arith.constant 0 : i32
    %dma_wait3A_97 = tpu.memref_slice %arg14[%dma_wait3A_95, %dma_wait3A_96] : memref<4x128xi32, #tpu.memory_space<vmem>> -> memref<1x128xi32, #tpu.memory_space<vmem>>
    %dma_wait3A_98 = tpu.memref_squeeze %dma_wait3A_97 : memref<1x128xi32, #tpu.memory_space<vmem>> -> memref<128xi32, #tpu.memory_space<vmem>>
    %dma_wait3A_99 = arith.constant 0 : i32
    %dma_wait3A_100 = arith.constant 0 : i32
    %dma_wait3A_101 = tpu.memref_slice %arg6[%dma_wait3A_99, %dma_wait3A_100] : memref<250000x128xf32, #tpu.memory_space<hbm>> -> memref<250000x128xf32, #tpu.memory_space<hbm>>
    tpu.wait_indirect_dma semaphore(%arg22 : memref<!tpu.dma_semaphore, #tpu.memory_space<semaphore_mem>>) src(%dma_wait3A_101 : memref<250000x128xf32, #tpu.memory_space<hbm>>) dst(%arg18 : memref<128x128xf32, #tpu.memory_space<vmem>>)
    %dma_wait3A_102 = arith.constant 1 : i32
    %dma_wait3A_103 = arith.constant 0 : i32
    %dma_wait3A_104 = tpu.memref_slice %arg15[%dma_wait3A_102, %dma_wait3A_103] : memref<4x128xi32, #tpu.memory_space<vmem>> -> memref<1x128xi32, #tpu.memory_space<vmem>>
    %dma_wait3A_105 = tpu.memref_squeeze %dma_wait3A_104 : memref<1x128xi32, #tpu.memory_space<vmem>> -> memref<128xi32, #tpu.memory_space<vmem>>
    %dma_wait3A_106 = arith.constant 0 : i32
    %dma_wait3A_107 = arith.constant 0 : i32
    %dma_wait3A_108 = tpu.memref_slice %arg7[%dma_wait3A_106, %dma_wait3A_107] : memref<250000x128xf32, #tpu.memory_space<hbm>> -> memref<250000x128xf32, #tpu.memory_space<hbm>>
    tpu.wait_indirect_dma semaphore(%arg22 : memref<!tpu.dma_semaphore, #tpu.memory_space<semaphore_mem>>) src(%dma_wait3A_108 : memref<250000x128xf32, #tpu.memory_space<hbm>>) dst(%arg19 : memref<128x128xf32, #tpu.memory_space<vmem>>)
    %dma_wait3A_109 = arith.constant 1 : i32
    %dma_wait3A_110 = arith.constant 0 : i32
    %dma_wait3A_111 = tpu.memref_slice %arg16[%dma_wait3A_109, %dma_wait3A_110] : memref<4x128xi32, #tpu.memory_space<vmem>> -> memref<1x128xi32, #tpu.memory_space<vmem>>
    %dma_wait3A_112 = tpu.memref_squeeze %dma_wait3A_111 : memref<1x128xi32, #tpu.memory_space<vmem>> -> memref<128xi32, #tpu.memory_space<vmem>>
    %dma_wait3A_113 = arith.constant 0 : i32
    %dma_wait3A_114 = arith.constant 0 : i32
    %dma_wait3A_115 = tpu.memref_slice %arg8[%dma_wait3A_113, %dma_wait3A_114] : memref<250000x128xf32, #tpu.memory_space<hbm>> -> memref<250000x128xf32, #tpu.memory_space<hbm>>
    tpu.wait_indirect_dma semaphore(%arg22 : memref<!tpu.dma_semaphore, #tpu.memory_space<semaphore_mem>>) src(%dma_wait3A_115 : memref<250000x128xf32, #tpu.memory_space<hbm>>) dst(%arg20 : memref<128x128xf32, #tpu.memory_space<vmem>>)
    %dma_wait3A_116 = arith.constant 1 : i32
    %dma_wait3A_117 = arith.constant 0 : i32
    %dma_wait3A_118 = tpu.memref_slice %arg17[%dma_wait3A_116, %dma_wait3A_117] : memref<4x128xi32, #tpu.memory_space<vmem>> -> memref<1x128xi32, #tpu.memory_space<vmem>>
    %dma_wait3A_119 = tpu.memref_squeeze %dma_wait3A_118 : memref<1x128xi32, #tpu.memory_space<vmem>> -> memref<128xi32, #tpu.memory_space<vmem>>
    %dma_wait3A_120 = arith.constant 0 : i32
    %dma_wait3A_121 = arith.constant 0 : i32
    %dma_wait3A_122 = tpu.memref_slice %arg9[%dma_wait3A_120, %dma_wait3A_121] : memref<7813x128xf32, #tpu.memory_space<hbm>> -> memref<7813x128xf32, #tpu.memory_space<hbm>>
    tpu.wait_indirect_dma semaphore(%arg22 : memref<!tpu.dma_semaphore, #tpu.memory_space<semaphore_mem>>) src(%dma_wait3A_122 : memref<7813x128xf32, #tpu.memory_space<hbm>>) dst(%arg21 : memref<128x128xf32, #tpu.memory_space<vmem>>)
    %mul3A_123 = arith.constant 512 : i32
    %mul3A_124 = arith.muli %add3A, %mul3A_123 : i32
    %add3A_125 = arith.constant 128 : i32
    %add3A_126 = arith.addi %mul3A_124, %add3A_125 : i32
    "tpu.region"() ({
      %run_scoped3A = tpu.sem_alloc : memref<!tpu.dma_semaphore, #tpu.memory_space<semaphore_mem>>
      %dma_start3A_247 = arith.constant 0 : i32
      %dma_start3A_248 = tpu.memref_slice %arg10[%add3A_126, %dma_start3A_247] : memref<16384x128xf32, #tpu.memory_space<hbm>> -> memref<128x128xf32, #tpu.memory_space<hbm>>
      %dma_start3A_249 = arith.constant 0 : i32
      %dma_start3A_250 = tpu.memref_slice %arg10[%add3A_126, %dma_start3A_249] : memref<16384x128xf32, #tpu.memory_space<hbm>> -> memref<128x128xf32, #tpu.memory_space<hbm>>
      tpu.enqueue_dma source(%arg18 : memref<128x128xf32, #tpu.memory_space<vmem>>) target(%dma_start3A_250 : memref<128x128xf32, #tpu.memory_space<hbm>>) target_semaphore(%run_scoped3A : memref<!tpu.dma_semaphore, #tpu.memory_space<semaphore_mem>>)
      %dma_wait3A_251 = arith.constant 0 : i32
      %dma_wait3A_252 = tpu.memref_slice %arg10[%add3A_126, %dma_wait3A_251] : memref<16384x128xf32, #tpu.memory_space<hbm>> -> memref<128x128xf32, #tpu.memory_space<hbm>>
      %dma_wait3A_253 = arith.constant 0 : i32
      %dma_wait3A_254 = tpu.memref_slice %arg10[%add3A_126, %dma_wait3A_253] : memref<16384x128xf32, #tpu.memory_space<hbm>> -> memref<128x128xf32, #tpu.memory_space<hbm>>
      tpu.wait_dma2 semaphore(%run_scoped3A : memref<!tpu.dma_semaphore, #tpu.memory_space<semaphore_mem>>) src(%arg18 : memref<128x128xf32, #tpu.memory_space<vmem>>) dst(%dma_wait3A_254 : memref<128x128xf32, #tpu.memory_space<hbm>>)
      tpu.yield
    }) : () -> ()
    "tpu.region"() ({
      %run_scoped3A = tpu.sem_alloc : memref<!tpu.dma_semaphore, #tpu.memory_space<semaphore_mem>>
      %dma_start3A_247 = arith.constant 0 : i32
      %dma_start3A_248 = tpu.memref_slice %arg11[%add3A_126, %dma_start3A_247] : memref<16384x128xf32, #tpu.memory_space<hbm>> -> memref<128x128xf32, #tpu.memory_space<hbm>>
      %dma_start3A_249 = arith.constant 0 : i32
      %dma_start3A_250 = tpu.memref_slice %arg11[%add3A_126, %dma_start3A_249] : memref<16384x128xf32, #tpu.memory_space<hbm>> -> memref<128x128xf32, #tpu.memory_space<hbm>>
      tpu.enqueue_dma source(%arg19 : memref<128x128xf32, #tpu.memory_space<vmem>>) target(%dma_start3A_250 : memref<128x128xf32, #tpu.memory_space<hbm>>) target_semaphore(%run_scoped3A : memref<!tpu.dma_semaphore, #tpu.memory_space<semaphore_mem>>)
      %dma_wait3A_251 = arith.constant 0 : i32
      %dma_wait3A_252 = tpu.memref_slice %arg11[%add3A_126, %dma_wait3A_251] : memref<16384x128xf32, #tpu.memory_space<hbm>> -> memref<128x128xf32, #tpu.memory_space<hbm>>
      %dma_wait3A_253 = arith.constant 0 : i32
      %dma_wait3A_254 = tpu.memref_slice %arg11[%add3A_126, %dma_wait3A_253] : memref<16384x128xf32, #tpu.memory_space<hbm>> -> memref<128x128xf32, #tpu.memory_space<hbm>>
      tpu.wait_dma2 semaphore(%run_scoped3A : memref<!tpu.dma_semaphore, #tpu.memory_space<semaphore_mem>>) src(%arg19 : memref<128x128xf32, #tpu.memory_space<vmem>>) dst(%dma_wait3A_254 : memref<128x128xf32, #tpu.memory_space<hbm>>)
      tpu.yield
    }) : () -> ()
    "tpu.region"() ({
      %run_scoped3A = tpu.sem_alloc : memref<!tpu.dma_semaphore, #tpu.memory_space<semaphore_mem>>
      %dma_start3A_247 = arith.constant 0 : i32
      %dma_start3A_248 = tpu.memref_slice %arg12[%add3A_126, %dma_start3A_247] : memref<16384x128xf32, #tpu.memory_space<hbm>> -> memref<128x128xf32, #tpu.memory_space<hbm>>
      %dma_start3A_249 = arith.constant 0 : i32
      %dma_start3A_250 = tpu.memref_slice %arg12[%add3A_126, %dma_start3A_249] : memref<16384x128xf32, #tpu.memory_space<hbm>> -> memref<128x128xf32, #tpu.memory_space<hbm>>
      tpu.enqueue_dma source(%arg20 : memref<128x128xf32, #tpu.memory_space<vmem>>) target(%dma_start3A_250 : memref<128x128xf32, #tpu.memory_space<hbm>>) target_semaphore(%run_scoped3A : memref<!tpu.dma_semaphore, #tpu.memory_space<semaphore_mem>>)
      %dma_wait3A_251 = arith.constant 0 : i32
      %dma_wait3A_252 = tpu.memref_slice %arg12[%add3A_126, %dma_wait3A_251] : memref<16384x128xf32, #tpu.memory_space<hbm>> -> memref<128x128xf32, #tpu.memory_space<hbm>>
      %dma_wait3A_253 = arith.constant 0 : i32
      %dma_wait3A_254 = tpu.memref_slice %arg12[%add3A_126, %dma_wait3A_253] : memref<16384x128xf32, #tpu.memory_space<hbm>> -> memref<128x128xf32, #tpu.memory_space<hbm>>
      tpu.wait_dma2 semaphore(%run_scoped3A : memref<!tpu.dma_semaphore, #tpu.memory_space<semaphore_mem>>) src(%arg20 : memref<128x128xf32, #tpu.memory_space<vmem>>) dst(%dma_wait3A_254 : memref<128x128xf32, #tpu.memory_space<hbm>>)
      tpu.yield
    }) : () -> ()
    "tpu.region"() ({
      %run_scoped3A = tpu.sem_alloc : memref<!tpu.dma_semaphore, #tpu.memory_space<semaphore_mem>>
      %dma_start3A_247 = arith.constant 0 : i32
      %dma_start3A_248 = tpu.memref_slice %arg13[%add3A_126, %dma_start3A_247] : memref<16384x128xf32, #tpu.memory_space<hbm>> -> memref<128x128xf32, #tpu.memory_space<hbm>>
      %dma_start3A_249 = arith.constant 0 : i32
      %dma_start3A_250 = tpu.memref_slice %arg13[%add3A_126, %dma_start3A_249] : memref<16384x128xf32, #tpu.memory_space<hbm>> -> memref<128x128xf32, #tpu.memory_space<hbm>>
      tpu.enqueue_dma source(%arg21 : memref<128x128xf32, #tpu.memory_space<vmem>>) target(%dma_start3A_250 : memref<128x128xf32, #tpu.memory_space<hbm>>) target_semaphore(%run_scoped3A : memref<!tpu.dma_semaphore, #tpu.memory_space<semaphore_mem>>)
      %dma_wait3A_251 = arith.constant 0 : i32
      %dma_wait3A_252 = tpu.memref_slice %arg13[%add3A_126, %dma_wait3A_251] : memref<16384x128xf32, #tpu.memory_space<hbm>> -> memref<128x128xf32, #tpu.memory_space<hbm>>
      %dma_wait3A_253 = arith.constant 0 : i32
      %dma_wait3A_254 = tpu.memref_slice %arg13[%add3A_126, %dma_wait3A_253] : memref<16384x128xf32, #tpu.memory_space<hbm>> -> memref<128x128xf32, #tpu.memory_space<hbm>>
      tpu.wait_dma2 semaphore(%run_scoped3A : memref<!tpu.dma_semaphore, #tpu.memory_space<semaphore_mem>>) src(%arg21 : memref<128x128xf32, #tpu.memory_space<vmem>>) dst(%dma_wait3A_254 : memref<128x128xf32, #tpu.memory_space<hbm>>)
      tpu.yield
    }) : () -> ()
    %dma_start3A_127 = arith.constant 2 : i32
    %dma_start3A_128 = arith.constant 0 : i32
    %dma_start3A_129 = tpu.memref_slice %arg14[%dma_start3A_127, %dma_start3A_128] : memref<4x128xi32, #tpu.memory_space<vmem>> -> memref<1x128xi32, #tpu.memory_space<vmem>>
    %dma_start3A_130 = tpu.memref_squeeze %dma_start3A_129 : memref<1x128xi32, #tpu.memory_space<vmem>> -> memref<128xi32, #tpu.memory_space<vmem>>
    %dma_start3A_131 = arith.constant 0 : i32
    %dma_start3A_132 = arith.constant 0 : i32
    %dma_start3A_133 = tpu.memref_slice %arg6[%dma_start3A_131, %dma_start3A_132] : memref<250000x128xf32, #tpu.memory_space<hbm>> -> memref<250000x128xf32, #tpu.memory_space<hbm>>
    tpu.enqueue_indirect_dma source(%dma_start3A_133 : memref<250000x128xf32, #tpu.memory_space<hbm>>) target(%arg18 : memref<128x128xf32, #tpu.memory_space<vmem>>) offsets(%dma_start3A_130 : memref<128xi32, #tpu.memory_space<vmem>>) semaphore(%arg22 : memref<!tpu.dma_semaphore, #tpu.memory_space<semaphore_mem>>)
    %dma_start3A_134 = arith.constant 2 : i32
    %dma_start3A_135 = arith.constant 0 : i32
    %dma_start3A_136 = tpu.memref_slice %arg15[%dma_start3A_134, %dma_start3A_135] : memref<4x128xi32, #tpu.memory_space<vmem>> -> memref<1x128xi32, #tpu.memory_space<vmem>>
    %dma_start3A_137 = tpu.memref_squeeze %dma_start3A_136 : memref<1x128xi32, #tpu.memory_space<vmem>> -> memref<128xi32, #tpu.memory_space<vmem>>
    %dma_start3A_138 = arith.constant 0 : i32
    %dma_start3A_139 = arith.constant 0 : i32
    %dma_start3A_140 = tpu.memref_slice %arg7[%dma_start3A_138, %dma_start3A_139] : memref<250000x128xf32, #tpu.memory_space<hbm>> -> memref<250000x128xf32, #tpu.memory_space<hbm>>
    tpu.enqueue_indirect_dma source(%dma_start3A_140 : memref<250000x128xf32, #tpu.memory_space<hbm>>) target(%arg19 : memref<128x128xf32, #tpu.memory_space<vmem>>) offsets(%dma_start3A_137 : memref<128xi32, #tpu.memory_space<vmem>>) semaphore(%arg22 : memref<!tpu.dma_semaphore, #tpu.memory_space<semaphore_mem>>)
    %dma_start3A_141 = arith.constant 2 : i32
    %dma_start3A_142 = arith.constant 0 : i32
    %dma_start3A_143 = tpu.memref_slice %arg16[%dma_start3A_141, %dma_start3A_142] : memref<4x128xi32, #tpu.memory_space<vmem>> -> memref<1x128xi32, #tpu.memory_space<vmem>>
    %dma_start3A_144 = tpu.memref_squeeze %dma_start3A_143 : memref<1x128xi32, #tpu.memory_space<vmem>> -> memref<128xi32, #tpu.memory_space<vmem>>
    %dma_start3A_145 = arith.constant 0 : i32
    %dma_start3A_146 = arith.constant 0 : i32
    %dma_start3A_147 = tpu.memref_slice %arg8[%dma_start3A_145, %dma_start3A_146] : memref<250000x128xf32, #tpu.memory_space<hbm>> -> memref<250000x128xf32, #tpu.memory_space<hbm>>
    tpu.enqueue_indirect_dma source(%dma_start3A_147 : memref<250000x128xf32, #tpu.memory_space<hbm>>) target(%arg20 : memref<128x128xf32, #tpu.memory_space<vmem>>) offsets(%dma_start3A_144 : memref<128xi32, #tpu.memory_space<vmem>>) semaphore(%arg22 : memref<!tpu.dma_semaphore, #tpu.memory_space<semaphore_mem>>)
    %dma_start3A_148 = arith.constant 2 : i32
    %dma_start3A_149 = arith.constant 0 : i32
    %dma_start3A_150 = tpu.memref_slice %arg17[%dma_start3A_148, %dma_start3A_149] : memref<4x128xi32, #tpu.memory_space<vmem>> -> memref<1x128xi32, #tpu.memory_space<vmem>>
    %dma_start3A_151 = tpu.memref_squeeze %dma_start3A_150 : memref<1x128xi32, #tpu.memory_space<vmem>> -> memref<128xi32, #tpu.memory_space<vmem>>
    %dma_start3A_152 = arith.constant 0 : i32
    %dma_start3A_153 = arith.constant 0 : i32
    %dma_start3A_154 = tpu.memref_slice %arg9[%dma_start3A_152, %dma_start3A_153] : memref<7813x128xf32, #tpu.memory_space<hbm>> -> memref<7813x128xf32, #tpu.memory_space<hbm>>
    tpu.enqueue_indirect_dma source(%dma_start3A_154 : memref<7813x128xf32, #tpu.memory_space<hbm>>) target(%arg21 : memref<128x128xf32, #tpu.memory_space<vmem>>) offsets(%dma_start3A_151 : memref<128xi32, #tpu.memory_space<vmem>>) semaphore(%arg22 : memref<!tpu.dma_semaphore, #tpu.memory_space<semaphore_mem>>)
    %dma_wait3A_155 = arith.constant 2 : i32
    %dma_wait3A_156 = arith.constant 0 : i32
    %dma_wait3A_157 = tpu.memref_slice %arg14[%dma_wait3A_155, %dma_wait3A_156] : memref<4x128xi32, #tpu.memory_space<vmem>> -> memref<1x128xi32, #tpu.memory_space<vmem>>
    %dma_wait3A_158 = tpu.memref_squeeze %dma_wait3A_157 : memref<1x128xi32, #tpu.memory_space<vmem>> -> memref<128xi32, #tpu.memory_space<vmem>>
    %dma_wait3A_159 = arith.constant 0 : i32
    %dma_wait3A_160 = arith.constant 0 : i32
    %dma_wait3A_161 = tpu.memref_slice %arg6[%dma_wait3A_159, %dma_wait3A_160] : memref<250000x128xf32, #tpu.memory_space<hbm>> -> memref<250000x128xf32, #tpu.memory_space<hbm>>
    tpu.wait_indirect_dma semaphore(%arg22 : memref<!tpu.dma_semaphore, #tpu.memory_space<semaphore_mem>>) src(%dma_wait3A_161 : memref<250000x128xf32, #tpu.memory_space<hbm>>) dst(%arg18 : memref<128x128xf32, #tpu.memory_space<vmem>>)
    %dma_wait3A_162 = arith.constant 2 : i32
    %dma_wait3A_163 = arith.constant 0 : i32
    %dma_wait3A_164 = tpu.memref_slice %arg15[%dma_wait3A_162, %dma_wait3A_163] : memref<4x128xi32, #tpu.memory_space<vmem>> -> memref<1x128xi32, #tpu.memory_space<vmem>>
    %dma_wait3A_165 = tpu.memref_squeeze %dma_wait3A_164 : memref<1x128xi32, #tpu.memory_space<vmem>> -> memref<128xi32, #tpu.memory_space<vmem>>
    %dma_wait3A_166 = arith.constant 0 : i32
    %dma_wait3A_167 = arith.constant 0 : i32
    %dma_wait3A_168 = tpu.memref_slice %arg7[%dma_wait3A_166, %dma_wait3A_167] : memref<250000x128xf32, #tpu.memory_space<hbm>> -> memref<250000x128xf32, #tpu.memory_space<hbm>>
    tpu.wait_indirect_dma semaphore(%arg22 : memref<!tpu.dma_semaphore, #tpu.memory_space<semaphore_mem>>) src(%dma_wait3A_168 : memref<250000x128xf32, #tpu.memory_space<hbm>>) dst(%arg19 : memref<128x128xf32, #tpu.memory_space<vmem>>)
    %dma_wait3A_169 = arith.constant 2 : i32
    %dma_wait3A_170 = arith.constant 0 : i32
    %dma_wait3A_171 = tpu.memref_slice %arg16[%dma_wait3A_169, %dma_wait3A_170] : memref<4x128xi32, #tpu.memory_space<vmem>> -> memref<1x128xi32, #tpu.memory_space<vmem>>
    %dma_wait3A_172 = tpu.memref_squeeze %dma_wait3A_171 : memref<1x128xi32, #tpu.memory_space<vmem>> -> memref<128xi32, #tpu.memory_space<vmem>>
    %dma_wait3A_173 = arith.constant 0 : i32
    %dma_wait3A_174 = arith.constant 0 : i32
    %dma_wait3A_175 = tpu.memref_slice %arg8[%dma_wait3A_173, %dma_wait3A_174] : memref<250000x128xf32, #tpu.memory_space<hbm>> -> memref<250000x128xf32, #tpu.memory_space<hbm>>
    tpu.wait_indirect_dma semaphore(%arg22 : memref<!tpu.dma_semaphore, #tpu.memory_space<semaphore_mem>>) src(%dma_wait3A_175 : memref<250000x128xf32, #tpu.memory_space<hbm>>) dst(%arg20 : memref<128x128xf32, #tpu.memory_space<vmem>>)
    %dma_wait3A_176 = arith.constant 2 : i32
    %dma_wait3A_177 = arith.constant 0 : i32
    %dma_wait3A_178 = tpu.memref_slice %arg17[%dma_wait3A_176, %dma_wait3A_177] : memref<4x128xi32, #tpu.memory_space<vmem>> -> memref<1x128xi32, #tpu.memory_space<vmem>>
    %dma_wait3A_179 = tpu.memref_squeeze %dma_wait3A_178 : memref<1x128xi32, #tpu.memory_space<vmem>> -> memref<128xi32, #tpu.memory_space<vmem>>
    %dma_wait3A_180 = arith.constant 0 : i32
    %dma_wait3A_181 = arith.constant 0 : i32
    %dma_wait3A_182 = tpu.memref_slice %arg9[%dma_wait3A_180, %dma_wait3A_181] : memref<7813x128xf32, #tpu.memory_space<hbm>> -> memref<7813x128xf32, #tpu.memory_space<hbm>>
    tpu.wait_indirect_dma semaphore(%arg22 : memref<!tpu.dma_semaphore, #tpu.memory_space<semaphore_mem>>) src(%dma_wait3A_182 : memref<7813x128xf32, #tpu.memory_space<hbm>>) dst(%arg21 : memref<128x128xf32, #tpu.memory_space<vmem>>)
    %mul3A_183 = arith.constant 512 : i32
    %mul3A_184 = arith.muli %add3A, %mul3A_183 : i32
    %add3A_185 = arith.constant 256 : i32
    %add3A_186 = arith.addi %mul3A_184, %add3A_185 : i32
    "tpu.region"() ({
      %run_scoped3A = tpu.sem_alloc : memref<!tpu.dma_semaphore, #tpu.memory_space<semaphore_mem>>
      %dma_start3A_247 = arith.constant 0 : i32
      %dma_start3A_248 = tpu.memref_slice %arg10[%add3A_186, %dma_start3A_247] : memref<16384x128xf32, #tpu.memory_space<hbm>> -> memref<128x128xf32, #tpu.memory_space<hbm>>
      %dma_start3A_249 = arith.constant 0 : i32
      %dma_start3A_250 = tpu.memref_slice %arg10[%add3A_186, %dma_start3A_249] : memref<16384x128xf32, #tpu.memory_space<hbm>> -> memref<128x128xf32, #tpu.memory_space<hbm>>
      tpu.enqueue_dma source(%arg18 : memref<128x128xf32, #tpu.memory_space<vmem>>) target(%dma_start3A_250 : memref<128x128xf32, #tpu.memory_space<hbm>>) target_semaphore(%run_scoped3A : memref<!tpu.dma_semaphore, #tpu.memory_space<semaphore_mem>>)
      %dma_wait3A_251 = arith.constant 0 : i32
      %dma_wait3A_252 = tpu.memref_slice %arg10[%add3A_186, %dma_wait3A_251] : memref<16384x128xf32, #tpu.memory_space<hbm>> -> memref<128x128xf32, #tpu.memory_space<hbm>>
      %dma_wait3A_253 = arith.constant 0 : i32
      %dma_wait3A_254 = tpu.memref_slice %arg10[%add3A_186, %dma_wait3A_253] : memref<16384x128xf32, #tpu.memory_space<hbm>> -> memref<128x128xf32, #tpu.memory_space<hbm>>
      tpu.wait_dma2 semaphore(%run_scoped3A : memref<!tpu.dma_semaphore, #tpu.memory_space<semaphore_mem>>) src(%arg18 : memref<128x128xf32, #tpu.memory_space<vmem>>) dst(%dma_wait3A_254 : memref<128x128xf32, #tpu.memory_space<hbm>>)
      tpu.yield
    }) : () -> ()
    "tpu.region"() ({
      %run_scoped3A = tpu.sem_alloc : memref<!tpu.dma_semaphore, #tpu.memory_space<semaphore_mem>>
      %dma_start3A_247 = arith.constant 0 : i32
      %dma_start3A_248 = tpu.memref_slice %arg11[%add3A_186, %dma_start3A_247] : memref<16384x128xf32, #tpu.memory_space<hbm>> -> memref<128x128xf32, #tpu.memory_space<hbm>>
      %dma_start3A_249 = arith.constant 0 : i32
      %dma_start3A_250 = tpu.memref_slice %arg11[%add3A_186, %dma_start3A_249] : memref<16384x128xf32, #tpu.memory_space<hbm>> -> memref<128x128xf32, #tpu.memory_space<hbm>>
      tpu.enqueue_dma source(%arg19 : memref<128x128xf32, #tpu.memory_space<vmem>>) target(%dma_start3A_250 : memref<128x128xf32, #tpu.memory_space<hbm>>) target_semaphore(%run_scoped3A : memref<!tpu.dma_semaphore, #tpu.memory_space<semaphore_mem>>)
      %dma_wait3A_251 = arith.constant 0 : i32
      %dma_wait3A_252 = tpu.memref_slice %arg11[%add3A_186, %dma_wait3A_251] : memref<16384x128xf32, #tpu.memory_space<hbm>> -> memref<128x128xf32, #tpu.memory_space<hbm>>
      %dma_wait3A_253 = arith.constant 0 : i32
      %dma_wait3A_254 = tpu.memref_slice %arg11[%add3A_186, %dma_wait3A_253] : memref<16384x128xf32, #tpu.memory_space<hbm>> -> memref<128x128xf32, #tpu.memory_space<hbm>>
      tpu.wait_dma2 semaphore(%run_scoped3A : memref<!tpu.dma_semaphore, #tpu.memory_space<semaphore_mem>>) src(%arg19 : memref<128x128xf32, #tpu.memory_space<vmem>>) dst(%dma_wait3A_254 : memref<128x128xf32, #tpu.memory_space<hbm>>)
      tpu.yield
    }) : () -> ()
    "tpu.region"() ({
      %run_scoped3A = tpu.sem_alloc : memref<!tpu.dma_semaphore, #tpu.memory_space<semaphore_mem>>
      %dma_start3A_247 = arith.constant 0 : i32
      %dma_start3A_248 = tpu.memref_slice %arg12[%add3A_186, %dma_start3A_247] : memref<16384x128xf32, #tpu.memory_space<hbm>> -> memref<128x128xf32, #tpu.memory_space<hbm>>
      %dma_start3A_249 = arith.constant 0 : i32
      %dma_start3A_250 = tpu.memref_slice %arg12[%add3A_186, %dma_start3A_249] : memref<16384x128xf32, #tpu.memory_space<hbm>> -> memref<128x128xf32, #tpu.memory_space<hbm>>
      tpu.enqueue_dma source(%arg20 : memref<128x128xf32, #tpu.memory_space<vmem>>) target(%dma_start3A_250 : memref<128x128xf32, #tpu.memory_space<hbm>>) target_semaphore(%run_scoped3A : memref<!tpu.dma_semaphore, #tpu.memory_space<semaphore_mem>>)
      %dma_wait3A_251 = arith.constant 0 : i32
      %dma_wait3A_252 = tpu.memref_slice %arg12[%add3A_186, %dma_wait3A_251] : memref<16384x128xf32, #tpu.memory_space<hbm>> -> memref<128x128xf32, #tpu.memory_space<hbm>>
      %dma_wait3A_253 = arith.constant 0 : i32
      %dma_wait3A_254 = tpu.memref_slice %arg12[%add3A_186, %dma_wait3A_253] : memref<16384x128xf32, #tpu.memory_space<hbm>> -> memref<128x128xf32, #tpu.memory_space<hbm>>
      tpu.wait_dma2 semaphore(%run_scoped3A : memref<!tpu.dma_semaphore, #tpu.memory_space<semaphore_mem>>) src(%arg20 : memref<128x128xf32, #tpu.memory_space<vmem>>) dst(%dma_wait3A_254 : memref<128x128xf32, #tpu.memory_space<hbm>>)
      tpu.yield
    }) : () -> ()
    "tpu.region"() ({
      %run_scoped3A = tpu.sem_alloc : memref<!tpu.dma_semaphore, #tpu.memory_space<semaphore_mem>>
      %dma_start3A_247 = arith.constant 0 : i32
      %dma_start3A_248 = tpu.memref_slice %arg13[%add3A_186, %dma_start3A_247] : memref<16384x128xf32, #tpu.memory_space<hbm>> -> memref<128x128xf32, #tpu.memory_space<hbm>>
      %dma_start3A_249 = arith.constant 0 : i32
      %dma_start3A_250 = tpu.memref_slice %arg13[%add3A_186, %dma_start3A_249] : memref<16384x128xf32, #tpu.memory_space<hbm>> -> memref<128x128xf32, #tpu.memory_space<hbm>>
      tpu.enqueue_dma source(%arg21 : memref<128x128xf32, #tpu.memory_space<vmem>>) target(%dma_start3A_250 : memref<128x128xf32, #tpu.memory_space<hbm>>) target_semaphore(%run_scoped3A : memref<!tpu.dma_semaphore, #tpu.memory_space<semaphore_mem>>)
      %dma_wait3A_251 = arith.constant 0 : i32
      %dma_wait3A_252 = tpu.memref_slice %arg13[%add3A_186, %dma_wait3A_251] : memref<16384x128xf32, #tpu.memory_space<hbm>> -> memref<128x128xf32, #tpu.memory_space<hbm>>
      %dma_wait3A_253 = arith.constant 0 : i32
      %dma_wait3A_254 = tpu.memref_slice %arg13[%add3A_186, %dma_wait3A_253] : memref<16384x128xf32, #tpu.memory_space<hbm>> -> memref<128x128xf32, #tpu.memory_space<hbm>>
      tpu.wait_dma2 semaphore(%run_scoped3A : memref<!tpu.dma_semaphore, #tpu.memory_space<semaphore_mem>>) src(%arg21 : memref<128x128xf32, #tpu.memory_space<vmem>>) dst(%dma_wait3A_254 : memref<128x128xf32, #tpu.memory_space<hbm>>)
      tpu.yield
    }) : () -> ()
    %dma_start3A_187 = arith.constant 3 : i32
    %dma_start3A_188 = arith.constant 0 : i32
    %dma_start3A_189 = tpu.memref_slice %arg14[%dma_start3A_187, %dma_start3A_188] : memref<4x128xi32, #tpu.memory_space<vmem>> -> memref<1x128xi32, #tpu.memory_space<vmem>>
    %dma_start3A_190 = tpu.memref_squeeze %dma_start3A_189 : memref<1x128xi32, #tpu.memory_space<vmem>> -> memref<128xi32, #tpu.memory_space<vmem>>
    %dma_start3A_191 = arith.constant 0 : i32
    %dma_start3A_192 = arith.constant 0 : i32
    %dma_start3A_193 = tpu.memref_slice %arg6[%dma_start3A_191, %dma_start3A_192] : memref<250000x128xf32, #tpu.memory_space<hbm>> -> memref<250000x128xf32, #tpu.memory_space<hbm>>
    tpu.enqueue_indirect_dma source(%dma_start3A_193 : memref<250000x128xf32, #tpu.memory_space<hbm>>) target(%arg18 : memref<128x128xf32, #tpu.memory_space<vmem>>) offsets(%dma_start3A_190 : memref<128xi32, #tpu.memory_space<vmem>>) semaphore(%arg22 : memref<!tpu.dma_semaphore, #tpu.memory_space<semaphore_mem>>)
    %dma_start3A_194 = arith.constant 3 : i32
    %dma_start3A_195 = arith.constant 0 : i32
    %dma_start3A_196 = tpu.memref_slice %arg15[%dma_start3A_194, %dma_start3A_195] : memref<4x128xi32, #tpu.memory_space<vmem>> -> memref<1x128xi32, #tpu.memory_space<vmem>>
    %dma_start3A_197 = tpu.memref_squeeze %dma_start3A_196 : memref<1x128xi32, #tpu.memory_space<vmem>> -> memref<128xi32, #tpu.memory_space<vmem>>
    %dma_start3A_198 = arith.constant 0 : i32
    %dma_start3A_199 = arith.constant 0 : i32
    %dma_start3A_200 = tpu.memref_slice %arg7[%dma_start3A_198, %dma_start3A_199] : memref<250000x128xf32, #tpu.memory_space<hbm>> -> memref<250000x128xf32, #tpu.memory_space<hbm>>
    tpu.enqueue_indirect_dma source(%dma_start3A_200 : memref<250000x128xf32, #tpu.memory_space<hbm>>) target(%arg19 : memref<128x128xf32, #tpu.memory_space<vmem>>) offsets(%dma_start3A_197 : memref<128xi32, #tpu.memory_space<vmem>>) semaphore(%arg22 : memref<!tpu.dma_semaphore, #tpu.memory_space<semaphore_mem>>)
    %dma_start3A_201 = arith.constant 3 : i32
    %dma_start3A_202 = arith.constant 0 : i32
    %dma_start3A_203 = tpu.memref_slice %arg16[%dma_start3A_201, %dma_start3A_202] : memref<4x128xi32, #tpu.memory_space<vmem>> -> memref<1x128xi32, #tpu.memory_space<vmem>>
    %dma_start3A_204 = tpu.memref_squeeze %dma_start3A_203 : memref<1x128xi32, #tpu.memory_space<vmem>> -> memref<128xi32, #tpu.memory_space<vmem>>
    %dma_start3A_205 = arith.constant 0 : i32
    %dma_start3A_206 = arith.constant 0 : i32
    %dma_start3A_207 = tpu.memref_slice %arg8[%dma_start3A_205, %dma_start3A_206] : memref<250000x128xf32, #tpu.memory_space<hbm>> -> memref<250000x128xf32, #tpu.memory_space<hbm>>
    tpu.enqueue_indirect_dma source(%dma_start3A_207 : memref<250000x128xf32, #tpu.memory_space<hbm>>) target(%arg20 : memref<128x128xf32, #tpu.memory_space<vmem>>) offsets(%dma_start3A_204 : memref<128xi32, #tpu.memory_space<vmem>>) semaphore(%arg22 : memref<!tpu.dma_semaphore, #tpu.memory_space<semaphore_mem>>)
    %dma_start3A_208 = arith.constant 3 : i32
    %dma_start3A_209 = arith.constant 0 : i32
    %dma_start3A_210 = tpu.memref_slice %arg17[%dma_start3A_208, %dma_start3A_209] : memref<4x128xi32, #tpu.memory_space<vmem>> -> memref<1x128xi32, #tpu.memory_space<vmem>>
    %dma_start3A_211 = tpu.memref_squeeze %dma_start3A_210 : memref<1x128xi32, #tpu.memory_space<vmem>> -> memref<128xi32, #tpu.memory_space<vmem>>
    %dma_start3A_212 = arith.constant 0 : i32
    %dma_start3A_213 = arith.constant 0 : i32
    %dma_start3A_214 = tpu.memref_slice %arg9[%dma_start3A_212, %dma_start3A_213] : memref<7813x128xf32, #tpu.memory_space<hbm>> -> memref<7813x128xf32, #tpu.memory_space<hbm>>
    tpu.enqueue_indirect_dma source(%dma_start3A_214 : memref<7813x128xf32, #tpu.memory_space<hbm>>) target(%arg21 : memref<128x128xf32, #tpu.memory_space<vmem>>) offsets(%dma_start3A_211 : memref<128xi32, #tpu.memory_space<vmem>>) semaphore(%arg22 : memref<!tpu.dma_semaphore, #tpu.memory_space<semaphore_mem>>)
    %dma_wait3A_215 = arith.constant 3 : i32
    %dma_wait3A_216 = arith.constant 0 : i32
    %dma_wait3A_217 = tpu.memref_slice %arg14[%dma_wait3A_215, %dma_wait3A_216] : memref<4x128xi32, #tpu.memory_space<vmem>> -> memref<1x128xi32, #tpu.memory_space<vmem>>
    %dma_wait3A_218 = tpu.memref_squeeze %dma_wait3A_217 : memref<1x128xi32, #tpu.memory_space<vmem>> -> memref<128xi32, #tpu.memory_space<vmem>>
    %dma_wait3A_219 = arith.constant 0 : i32
    %dma_wait3A_220 = arith.constant 0 : i32
    %dma_wait3A_221 = tpu.memref_slice %arg6[%dma_wait3A_219, %dma_wait3A_220] : memref<250000x128xf32, #tpu.memory_space<hbm>> -> memref<250000x128xf32, #tpu.memory_space<hbm>>
    tpu.wait_indirect_dma semaphore(%arg22 : memref<!tpu.dma_semaphore, #tpu.memory_space<semaphore_mem>>) src(%dma_wait3A_221 : memref<250000x128xf32, #tpu.memory_space<hbm>>) dst(%arg18 : memref<128x128xf32, #tpu.memory_space<vmem>>)
    %dma_wait3A_222 = arith.constant 3 : i32
    %dma_wait3A_223 = arith.constant 0 : i32
    %dma_wait3A_224 = tpu.memref_slice %arg15[%dma_wait3A_222, %dma_wait3A_223] : memref<4x128xi32, #tpu.memory_space<vmem>> -> memref<1x128xi32, #tpu.memory_space<vmem>>
    %dma_wait3A_225 = tpu.memref_squeeze %dma_wait3A_224 : memref<1x128xi32, #tpu.memory_space<vmem>> -> memref<128xi32, #tpu.memory_space<vmem>>
    %dma_wait3A_226 = arith.constant 0 : i32
    %dma_wait3A_227 = arith.constant 0 : i32
    %dma_wait3A_228 = tpu.memref_slice %arg7[%dma_wait3A_226, %dma_wait3A_227] : memref<250000x128xf32, #tpu.memory_space<hbm>> -> memref<250000x128xf32, #tpu.memory_space<hbm>>
    tpu.wait_indirect_dma semaphore(%arg22 : memref<!tpu.dma_semaphore, #tpu.memory_space<semaphore_mem>>) src(%dma_wait3A_228 : memref<250000x128xf32, #tpu.memory_space<hbm>>) dst(%arg19 : memref<128x128xf32, #tpu.memory_space<vmem>>)
    %dma_wait3A_229 = arith.constant 3 : i32
    %dma_wait3A_230 = arith.constant 0 : i32
    %dma_wait3A_231 = tpu.memref_slice %arg16[%dma_wait3A_229, %dma_wait3A_230] : memref<4x128xi32, #tpu.memory_space<vmem>> -> memref<1x128xi32, #tpu.memory_space<vmem>>
    %dma_wait3A_232 = tpu.memref_squeeze %dma_wait3A_231 : memref<1x128xi32, #tpu.memory_space<vmem>> -> memref<128xi32, #tpu.memory_space<vmem>>
    %dma_wait3A_233 = arith.constant 0 : i32
    %dma_wait3A_234 = arith.constant 0 : i32
    %dma_wait3A_235 = tpu.memref_slice %arg8[%dma_wait3A_233, %dma_wait3A_234] : memref<250000x128xf32, #tpu.memory_space<hbm>> -> memref<250000x128xf32, #tpu.memory_space<hbm>>
    tpu.wait_indirect_dma semaphore(%arg22 : memref<!tpu.dma_semaphore, #tpu.memory_space<semaphore_mem>>) src(%dma_wait3A_235 : memref<250000x128xf32, #tpu.memory_space<hbm>>) dst(%arg20 : memref<128x128xf32, #tpu.memory_space<vmem>>)
    %dma_wait3A_236 = arith.constant 3 : i32
    %dma_wait3A_237 = arith.constant 0 : i32
    %dma_wait3A_238 = tpu.memref_slice %arg17[%dma_wait3A_236, %dma_wait3A_237] : memref<4x128xi32, #tpu.memory_space<vmem>> -> memref<1x128xi32, #tpu.memory_space<vmem>>
    %dma_wait3A_239 = tpu.memref_squeeze %dma_wait3A_238 : memref<1x128xi32, #tpu.memory_space<vmem>> -> memref<128xi32, #tpu.memory_space<vmem>>
    %dma_wait3A_240 = arith.constant 0 : i32
    %dma_wait3A_241 = arith.constant 0 : i32
    %dma_wait3A_242 = tpu.memref_slice %arg9[%dma_wait3A_240, %dma_wait3A_241] : memref<7813x128xf32, #tpu.memory_space<hbm>> -> memref<7813x128xf32, #tpu.memory_space<hbm>>
    tpu.wait_indirect_dma semaphore(%arg22 : memref<!tpu.dma_semaphore, #tpu.memory_space<semaphore_mem>>) src(%dma_wait3A_242 : memref<7813x128xf32, #tpu.memory_space<hbm>>) dst(%arg21 : memref<128x128xf32, #tpu.memory_space<vmem>>)
    %mul3A_243 = arith.constant 512 : i32
    %mul3A_244 = arith.muli %add3A, %mul3A_243 : i32
    %add3A_245 = arith.constant 384 : i32
    %add3A_246 = arith.addi %mul3A_244, %add3A_245 : i32
    "tpu.region"() ({
      %run_scoped3A = tpu.sem_alloc : memref<!tpu.dma_semaphore, #tpu.memory_space<semaphore_mem>>
      %dma_start3A_247 = arith.constant 0 : i32
      %dma_start3A_248 = tpu.memref_slice %arg10[%add3A_246, %dma_start3A_247] : memref<16384x128xf32, #tpu.memory_space<hbm>> -> memref<128x128xf32, #tpu.memory_space<hbm>>
      %dma_start3A_249 = arith.constant 0 : i32
      %dma_start3A_250 = tpu.memref_slice %arg10[%add3A_246, %dma_start3A_249] : memref<16384x128xf32, #tpu.memory_space<hbm>> -> memref<128x128xf32, #tpu.memory_space<hbm>>
      tpu.enqueue_dma source(%arg18 : memref<128x128xf32, #tpu.memory_space<vmem>>) target(%dma_start3A_250 : memref<128x128xf32, #tpu.memory_space<hbm>>) target_semaphore(%run_scoped3A : memref<!tpu.dma_semaphore, #tpu.memory_space<semaphore_mem>>)
      %dma_wait3A_251 = arith.constant 0 : i32
      %dma_wait3A_252 = tpu.memref_slice %arg10[%add3A_246, %dma_wait3A_251] : memref<16384x128xf32, #tpu.memory_space<hbm>> -> memref<128x128xf32, #tpu.memory_space<hbm>>
      %dma_wait3A_253 = arith.constant 0 : i32
      %dma_wait3A_254 = tpu.memref_slice %arg10[%add3A_246, %dma_wait3A_253] : memref<16384x128xf32, #tpu.memory_space<hbm>> -> memref<128x128xf32, #tpu.memory_space<hbm>>
      tpu.wait_dma2 semaphore(%run_scoped3A : memref<!tpu.dma_semaphore, #tpu.memory_space<semaphore_mem>>) src(%arg18 : memref<128x128xf32, #tpu.memory_space<vmem>>) dst(%dma_wait3A_254 : memref<128x128xf32, #tpu.memory_space<hbm>>)
      tpu.yield
    }) : () -> ()
    "tpu.region"() ({
      %run_scoped3A = tpu.sem_alloc : memref<!tpu.dma_semaphore, #tpu.memory_space<semaphore_mem>>
      %dma_start3A_247 = arith.constant 0 : i32
      %dma_start3A_248 = tpu.memref_slice %arg11[%add3A_246, %dma_start3A_247] : memref<16384x128xf32, #tpu.memory_space<hbm>> -> memref<128x128xf32, #tpu.memory_space<hbm>>
      %dma_start3A_249 = arith.constant 0 : i32
      %dma_start3A_250 = tpu.memref_slice %arg11[%add3A_246, %dma_start3A_249] : memref<16384x128xf32, #tpu.memory_space<hbm>> -> memref<128x128xf32, #tpu.memory_space<hbm>>
      tpu.enqueue_dma source(%arg19 : memref<128x128xf32, #tpu.memory_space<vmem>>) target(%dma_start3A_250 : memref<128x128xf32, #tpu.memory_space<hbm>>) target_semaphore(%run_scoped3A : memref<!tpu.dma_semaphore, #tpu.memory_space<semaphore_mem>>)
      %dma_wait3A_251 = arith.constant 0 : i32
      %dma_wait3A_252 = tpu.memref_slice %arg11[%add3A_246, %dma_wait3A_251] : memref<16384x128xf32, #tpu.memory_space<hbm>> -> memref<128x128xf32, #tpu.memory_space<hbm>>
      %dma_wait3A_253 = arith.constant 0 : i32
      %dma_wait3A_254 = tpu.memref_slice %arg11[%add3A_246, %dma_wait3A_253] : memref<16384x128xf32, #tpu.memory_space<hbm>> -> memref<128x128xf32, #tpu.memory_space<hbm>>
      tpu.wait_dma2 semaphore(%run_scoped3A : memref<!tpu.dma_semaphore, #tpu.memory_space<semaphore_mem>>) src(%arg19 : memref<128x128xf32, #tpu.memory_space<vmem>>) dst(%dma_wait3A_254 : memref<128x128xf32, #tpu.memory_space<hbm>>)
      tpu.yield
    }) : () -> ()
    "tpu.region"() ({
      %run_scoped3A = tpu.sem_alloc : memref<!tpu.dma_semaphore, #tpu.memory_space<semaphore_mem>>
      %dma_start3A_247 = arith.constant 0 : i32
      %dma_start3A_248 = tpu.memref_slice %arg12[%add3A_246, %dma_start3A_247] : memref<16384x128xf32, #tpu.memory_space<hbm>> -> memref<128x128xf32, #tpu.memory_space<hbm>>
      %dma_start3A_249 = arith.constant 0 : i32
      %dma_start3A_250 = tpu.memref_slice %arg12[%add3A_246, %dma_start3A_249] : memref<16384x128xf32, #tpu.memory_space<hbm>> -> memref<128x128xf32, #tpu.memory_space<hbm>>
      tpu.enqueue_dma source(%arg20 : memref<128x128xf32, #tpu.memory_space<vmem>>) target(%dma_start3A_250 : memref<128x128xf32, #tpu.memory_space<hbm>>) target_semaphore(%run_scoped3A : memref<!tpu.dma_semaphore, #tpu.memory_space<semaphore_mem>>)
      %dma_wait3A_251 = arith.constant 0 : i32
      %dma_wait3A_252 = tpu.memref_slice %arg12[%add3A_246, %dma_wait3A_251] : memref<16384x128xf32, #tpu.memory_space<hbm>> -> memref<128x128xf32, #tpu.memory_space<hbm>>
      %dma_wait3A_253 = arith.constant 0 : i32
      %dma_wait3A_254 = tpu.memref_slice %arg12[%add3A_246, %dma_wait3A_253] : memref<16384x128xf32, #tpu.memory_space<hbm>> -> memref<128x128xf32, #tpu.memory_space<hbm>>
      tpu.wait_dma2 semaphore(%run_scoped3A : memref<!tpu.dma_semaphore, #tpu.memory_space<semaphore_mem>>) src(%arg20 : memref<128x128xf32, #tpu.memory_space<vmem>>) dst(%dma_wait3A_254 : memref<128x128xf32, #tpu.memory_space<hbm>>)
      tpu.yield
    }) : () -> ()
    "tpu.region"() ({
      %run_scoped3A = tpu.sem_alloc : memref<!tpu.dma_semaphore, #tpu.memory_space<semaphore_mem>>
      %dma_start3A_247 = arith.constant 0 : i32
      %dma_start3A_248 = tpu.memref_slice %arg13[%add3A_246, %dma_start3A_247] : memref<16384x128xf32, #tpu.memory_space<hbm>> -> memref<128x128xf32, #tpu.memory_space<hbm>>
      %dma_start3A_249 = arith.constant 0 : i32
      %dma_start3A_250 = tpu.memref_slice %arg13[%add3A_246, %dma_start3A_249] : memref<16384x128xf32, #tpu.memory_space<hbm>> -> memref<128x128xf32, #tpu.memory_space<hbm>>
      tpu.enqueue_dma source(%arg21 : memref<128x128xf32, #tpu.memory_space<vmem>>) target(%dma_start3A_250 : memref<128x128xf32, #tpu.memory_space<hbm>>) target_semaphore(%run_scoped3A : memref<!tpu.dma_semaphore, #tpu.memory_space<semaphore_mem>>)
      %dma_wait3A_251 = arith.constant 0 : i32
      %dma_wait3A_252 = tpu.memref_slice %arg13[%add3A_246, %dma_wait3A_251] : memref<16384x128xf32, #tpu.memory_space<hbm>> -> memref<128x128xf32, #tpu.memory_space<hbm>>
      %dma_wait3A_253 = arith.constant 0 : i32
      %dma_wait3A_254 = tpu.memref_slice %arg13[%add3A_246, %dma_wait3A_253] : memref<16384x128xf32, #tpu.memory_space<hbm>> -> memref<128x128xf32, #tpu.memory_space<hbm>>
      tpu.wait_dma2 semaphore(%run_scoped3A : memref<!tpu.dma_semaphore, #tpu.memory_space<semaphore_mem>>) src(%arg21 : memref<128x128xf32, #tpu.memory_space<vmem>>) dst(%dma_wait3A_254 : memref<128x128xf32, #tpu.memory_space<hbm>>)
      tpu.yield
    }) : () -> ()
    return
  }
}

module attributes {stable_mosaic.version = 14 : i64} {
  func.func @_tc_math_body(%arg0: i32, %arg1: memref<512x128xf32, #tpu.memory_space<vmem>>, %arg2: memref<512x128xf32, #tpu.memory_space<vmem>>, %arg3: memref<512x128xf32, #tpu.memory_space<vmem>>, %arg4: memref<512x128xf32, #tpu.memory_space<vmem>>, %arg5: memref<512x1xi32, #tpu.memory_space<vmem>>, %arg6: memref<512x1xi32, #tpu.memory_space<vmem>>, %arg7: memref<512x1xi32, #tpu.memory_space<vmem>>, %arg8: memref<512x1xi32, #tpu.memory_space<vmem>>, %arg9: memref<1x32xf32, #tpu.memory_space<vmem>>, %arg10: memref<512x1xf32, #tpu.memory_space<vmem>>) attributes {dimension_semantics = [#tpu.dimension_semantics<arbitrary>], iteration_bounds = array<i64: 32>, scalar_prefetch = 0 : i64, scratch_operands = 0 : i64, tpu.core_type = #tpu.core_type<tc>, window_params = [{transform_indices = @transform_0, window_bounds = array<i64: 512, 128>}, {transform_indices = @transform_1, window_bounds = array<i64: 512, 128>}, {transform_indices = @transform_2, window_bounds = array<i64: 512, 128>}, {transform_indices = @transform_3, window_bounds = array<i64: 512, 128>}, {transform_indices = @transform_4, window_bounds = array<i64: 512, 1>}, {transform_indices = @transform_5, window_bounds = array<i64: 512, 1>}, {transform_indices = @transform_6, window_bounds = array<i64: 512, 1>}, {transform_indices = @transform_7, window_bounds = array<i64: 512, 1>}, {pipeline_mode = #tpu.pipeline_mode<synchronous>, transform_indices = @transform_8, window_bounds = array<i64: 1, 32>}, {transform_indices = @transform_9, window_bounds = array<i64: 512, 1>}]} {
    %get3A = arith.constant 0 : index
    %get3A_0 = arith.constant 0 : index
    %get3A_1 = vector.load %arg1[%get3A, %get3A_0] : memref<512x128xf32, #tpu.memory_space<vmem>>, vector<512x128xf32>
    %get3A_2 = arith.constant 0 : index
    %get3A_3 = arith.constant 0 : index
    %get3A_4 = vector.load %arg5[%get3A_2, %get3A_3] : memref<512x1xi32, #tpu.memory_space<vmem>>, vector<512x1xi32>
    %slice3A = vector.extract_strided_slice %get3A_1 {offsets = [0, 0], sizes = [512, 32], strides = [1, 1]} : vector<512x128xf32> to vector<512x32xf32>
    %slice3A_5 = vector.extract_strided_slice %get3A_1 {offsets = [0, 32], sizes = [512, 32], strides = [1, 1]} : vector<512x128xf32> to vector<512x32xf32>
    %slice3A_6 = vector.extract_strided_slice %get3A_1 {offsets = [0, 64], sizes = [512, 32], strides = [1, 1]} : vector<512x128xf32> to vector<512x32xf32>
    %slice3A_7 = vector.extract_strided_slice %get3A_1 {offsets = [0, 96], sizes = [512, 32], strides = [1, 1]} : vector<512x128xf32> to vector<512x32xf32>
    %eq3A = arith.constant 0 : i32
    %eq3A_8 = vector.broadcast %eq3A : i32 to vector<512x1xi32>
    %eq3A_9 = arith.cmpi eq, %get3A_4, %eq3A_8 : vector<512x1xi32>
    %eq3A_10 = arith.constant 1 : i32
    %eq3A_11 = vector.broadcast %eq3A_10 : i32 to vector<512x1xi32>
    %eq3A_12 = arith.cmpi eq, %get3A_4, %eq3A_11 : vector<512x1xi32>
    %eq3A_13 = arith.constant 2 : i32
    %eq3A_14 = vector.broadcast %eq3A_13 : i32 to vector<512x1xi32>
    %eq3A_15 = arith.cmpi eq, %get3A_4, %eq3A_14 : vector<512x1xi32>
    %broadcast_in_dim3A = vector.shape_cast %eq3A_15 : vector<512x1xi1> to vector<512x1xi1>
    %broadcast_in_dim3A_16 = vector.broadcast %broadcast_in_dim3A : vector<512x1xi1> to vector<512x32xi1>
    %select_n3A = arith.select %broadcast_in_dim3A_16, %slice3A_6, %slice3A_7 : vector<512x32xi1>, vector<512x32xf32>
    %broadcast_in_dim3A_17 = vector.shape_cast %eq3A_12 : vector<512x1xi1> to vector<512x1xi1>
    %broadcast_in_dim3A_18 = vector.broadcast %broadcast_in_dim3A_17 : vector<512x1xi1> to vector<512x32xi1>
    %select_n3A_19 = arith.select %broadcast_in_dim3A_18, %slice3A_5, %select_n3A : vector<512x32xi1>, vector<512x32xf32>
    %broadcast_in_dim3A_20 = vector.shape_cast %eq3A_9 : vector<512x1xi1> to vector<512x1xi1>
    %broadcast_in_dim3A_21 = vector.broadcast %broadcast_in_dim3A_20 : vector<512x1xi1> to vector<512x32xi1>
    %select_n3A_22 = arith.select %broadcast_in_dim3A_21, %slice3A, %select_n3A_19 : vector<512x32xi1>, vector<512x32xf32>
    %get3A_23 = arith.constant 0 : index
    %get3A_24 = arith.constant 0 : index
    %get3A_25 = vector.load %arg2[%get3A_23, %get3A_24] : memref<512x128xf32, #tpu.memory_space<vmem>>, vector<512x128xf32>
    %get3A_26 = arith.constant 0 : index
    %get3A_27 = arith.constant 0 : index
    %get3A_28 = vector.load %arg6[%get3A_26, %get3A_27] : memref<512x1xi32, #tpu.memory_space<vmem>>, vector<512x1xi32>
    %slice3A_29 = vector.extract_strided_slice %get3A_25 {offsets = [0, 0], sizes = [512, 32], strides = [1, 1]} : vector<512x128xf32> to vector<512x32xf32>
    %slice3A_30 = vector.extract_strided_slice %get3A_25 {offsets = [0, 32], sizes = [512, 32], strides = [1, 1]} : vector<512x128xf32> to vector<512x32xf32>
    %slice3A_31 = vector.extract_strided_slice %get3A_25 {offsets = [0, 64], sizes = [512, 32], strides = [1, 1]} : vector<512x128xf32> to vector<512x32xf32>
    %slice3A_32 = vector.extract_strided_slice %get3A_25 {offsets = [0, 96], sizes = [512, 32], strides = [1, 1]} : vector<512x128xf32> to vector<512x32xf32>
    %eq3A_33 = arith.constant 0 : i32
    %eq3A_34 = vector.broadcast %eq3A_33 : i32 to vector<512x1xi32>
    %eq3A_35 = arith.cmpi eq, %get3A_28, %eq3A_34 : vector<512x1xi32>
    %eq3A_36 = arith.constant 1 : i32
    %eq3A_37 = vector.broadcast %eq3A_36 : i32 to vector<512x1xi32>
    %eq3A_38 = arith.cmpi eq, %get3A_28, %eq3A_37 : vector<512x1xi32>
    %eq3A_39 = arith.constant 2 : i32
    %eq3A_40 = vector.broadcast %eq3A_39 : i32 to vector<512x1xi32>
    %eq3A_41 = arith.cmpi eq, %get3A_28, %eq3A_40 : vector<512x1xi32>
    %broadcast_in_dim3A_42 = vector.shape_cast %eq3A_41 : vector<512x1xi1> to vector<512x1xi1>
    %broadcast_in_dim3A_43 = vector.broadcast %broadcast_in_dim3A_42 : vector<512x1xi1> to vector<512x32xi1>
    %select_n3A_44 = arith.select %broadcast_in_dim3A_43, %slice3A_31, %slice3A_32 : vector<512x32xi1>, vector<512x32xf32>
    %broadcast_in_dim3A_45 = vector.shape_cast %eq3A_38 : vector<512x1xi1> to vector<512x1xi1>
    %broadcast_in_dim3A_46 = vector.broadcast %broadcast_in_dim3A_45 : vector<512x1xi1> to vector<512x32xi1>
    %select_n3A_47 = arith.select %broadcast_in_dim3A_46, %slice3A_30, %select_n3A_44 : vector<512x32xi1>, vector<512x32xf32>
    %broadcast_in_dim3A_48 = vector.shape_cast %eq3A_35 : vector<512x1xi1> to vector<512x1xi1>
    %broadcast_in_dim3A_49 = vector.broadcast %broadcast_in_dim3A_48 : vector<512x1xi1> to vector<512x32xi1>
    %select_n3A_50 = arith.select %broadcast_in_dim3A_49, %slice3A_29, %select_n3A_47 : vector<512x32xi1>, vector<512x32xf32>
    %get3A_51 = arith.constant 0 : index
    %get3A_52 = arith.constant 0 : index
    %get3A_53 = vector.load %arg3[%get3A_51, %get3A_52] : memref<512x128xf32, #tpu.memory_space<vmem>>, vector<512x128xf32>
    %get3A_54 = arith.constant 0 : index
    %get3A_55 = arith.constant 0 : index
    %get3A_56 = vector.load %arg7[%get3A_54, %get3A_55] : memref<512x1xi32, #tpu.memory_space<vmem>>, vector<512x1xi32>
    %slice3A_57 = vector.extract_strided_slice %get3A_53 {offsets = [0, 0], sizes = [512, 32], strides = [1, 1]} : vector<512x128xf32> to vector<512x32xf32>
    %slice3A_58 = vector.extract_strided_slice %get3A_53 {offsets = [0, 32], sizes = [512, 32], strides = [1, 1]} : vector<512x128xf32> to vector<512x32xf32>
    %slice3A_59 = vector.extract_strided_slice %get3A_53 {offsets = [0, 64], sizes = [512, 32], strides = [1, 1]} : vector<512x128xf32> to vector<512x32xf32>
    %slice3A_60 = vector.extract_strided_slice %get3A_53 {offsets = [0, 96], sizes = [512, 32], strides = [1, 1]} : vector<512x128xf32> to vector<512x32xf32>
    %eq3A_61 = arith.constant 0 : i32
    %eq3A_62 = vector.broadcast %eq3A_61 : i32 to vector<512x1xi32>
    %eq3A_63 = arith.cmpi eq, %get3A_56, %eq3A_62 : vector<512x1xi32>
    %eq3A_64 = arith.constant 1 : i32
    %eq3A_65 = vector.broadcast %eq3A_64 : i32 to vector<512x1xi32>
    %eq3A_66 = arith.cmpi eq, %get3A_56, %eq3A_65 : vector<512x1xi32>
    %eq3A_67 = arith.constant 2 : i32
    %eq3A_68 = vector.broadcast %eq3A_67 : i32 to vector<512x1xi32>
    %eq3A_69 = arith.cmpi eq, %get3A_56, %eq3A_68 : vector<512x1xi32>
    %broadcast_in_dim3A_70 = vector.shape_cast %eq3A_69 : vector<512x1xi1> to vector<512x1xi1>
    %broadcast_in_dim3A_71 = vector.broadcast %broadcast_in_dim3A_70 : vector<512x1xi1> to vector<512x32xi1>
    %select_n3A_72 = arith.select %broadcast_in_dim3A_71, %slice3A_59, %slice3A_60 : vector<512x32xi1>, vector<512x32xf32>
    %broadcast_in_dim3A_73 = vector.shape_cast %eq3A_66 : vector<512x1xi1> to vector<512x1xi1>
    %broadcast_in_dim3A_74 = vector.broadcast %broadcast_in_dim3A_73 : vector<512x1xi1> to vector<512x32xi1>
    %select_n3A_75 = arith.select %broadcast_in_dim3A_74, %slice3A_58, %select_n3A_72 : vector<512x32xi1>, vector<512x32xf32>
    %broadcast_in_dim3A_76 = vector.shape_cast %eq3A_63 : vector<512x1xi1> to vector<512x1xi1>
    %broadcast_in_dim3A_77 = vector.broadcast %broadcast_in_dim3A_76 : vector<512x1xi1> to vector<512x32xi1>
    %select_n3A_78 = arith.select %broadcast_in_dim3A_77, %slice3A_57, %select_n3A_75 : vector<512x32xi1>, vector<512x32xf32>
    %iota3A = tpu.iota {dimensions = array<i32: 1>} : vector<1x128xi32>
    %get3A_79 = arith.constant 0 : index
    %get3A_80 = arith.constant 0 : index
    %get3A_81 = vector.load %arg8[%get3A_79, %get3A_80] : memref<512x1xi32, #tpu.memory_space<vmem>>, vector<512x1xi32>
    %eq3A_82 = vector.broadcast %get3A_81 : vector<512x1xi32> to vector<512x128xi32>
    %eq3A_83 = vector.broadcast %iota3A : vector<1x128xi32> to vector<512x128xi32>
    %eq3A_84 = arith.cmpi eq, %eq3A_82, %eq3A_83 : vector<512x128xi32>
    %get3A_85 = arith.constant 0 : index
    %get3A_86 = arith.constant 0 : index
    %get3A_87 = vector.load %arg4[%get3A_85, %get3A_86] : memref<512x128xf32, #tpu.memory_space<vmem>>, vector<512x128xf32>
    %jit3A = arith.constant 0.000000e+00 : f32
    %broadcast_in_dim3A_88 = vector.broadcast %jit3A : f32 to vector<512x128xf32>
    %select_n3A_89 = arith.select %eq3A_84, %get3A_87, %broadcast_in_dim3A_88 : vector<512x128xi1>, vector<512x128xf32>
    %reduce_sum3A = arith.constant dense<0.000000e+00> : vector<512xf32>
    %reduce_sum3A_90 = vector.multi_reduction <add>, %select_n3A_89, %reduce_sum3A [1] : vector<512x128xf32> to vector<512xf32>
    %broadcast_in_dim3A_91 = vector.shape_cast %reduce_sum3A_90 : vector<512xf32> to vector<512x1xf32>
    %add3A = arith.addf %select_n3A_22, %select_n3A_50 : vector<512x32xf32>
    %get3A_92 = arith.constant 0 : index
    %get3A_93 = arith.constant 0 : index
    %get3A_94 = vector.load %arg9[%get3A_92, %get3A_93] : memref<1x32xf32, #tpu.memory_space<vmem>>, vector<1x32xf32>
    %add3A_95 = vector.broadcast %get3A_94 : vector<1x32xf32> to vector<512x32xf32>
    %add3A_96 = arith.addf %add3A, %add3A_95 : vector<512x32xf32>
    %add3A_97 = arith.constant 9.99999974E-6 : f32
    %add3A_98 = vector.broadcast %add3A_97 : f32 to vector<512x32xf32>
    %add3A_99 = arith.addf %add3A_96, %add3A_98 : vector<512x32xf32>
    %add3A_100 = arith.constant 9.99999974E-6 : f32
    %add3A_101 = vector.broadcast %add3A_100 : f32 to vector<512x32xf32>
    %add3A_102 = arith.addf %select_n3A_78, %add3A_101 : vector<512x32xf32>
    %mul3A = arith.mulf %add3A_99, %add3A_99 : vector<512x32xf32>
    %reduce_sum3A_103 = arith.constant dense<0.000000e+00> : vector<512xf32>
    %reduce_sum3A_104 = vector.multi_reduction <add>, %mul3A, %reduce_sum3A_103 [1] : vector<512x32xf32> to vector<512xf32>
    %broadcast_in_dim3A_105 = vector.shape_cast %reduce_sum3A_104 : vector<512xf32> to vector<512x1xf32>
    %mul3A_106 = arith.mulf %add3A_102, %add3A_102 : vector<512x32xf32>
    %reduce_sum3A_107 = arith.constant dense<0.000000e+00> : vector<512xf32>
    %reduce_sum3A_108 = vector.multi_reduction <add>, %mul3A_106, %reduce_sum3A_107 [1] : vector<512x32xf32> to vector<512xf32>
    %broadcast_in_dim3A_109 = vector.shape_cast %reduce_sum3A_108 : vector<512xf32> to vector<512x1xf32>
    %mul3A_110 = arith.mulf %add3A_99, %add3A_102 : vector<512x32xf32>
    %reduce_sum3A_111 = arith.constant dense<0.000000e+00> : vector<512xf32>
    %reduce_sum3A_112 = vector.multi_reduction <add>, %mul3A_110, %reduce_sum3A_111 [1] : vector<512x32xf32> to vector<512xf32>
    %broadcast_in_dim3A_113 = vector.shape_cast %reduce_sum3A_112 : vector<512xf32> to vector<512x1xf32>
    %sqrt3A = math.sqrt %broadcast_in_dim3A_105 : vector<512x1xf32>
    %sqrt3A_114 = math.sqrt %broadcast_in_dim3A_109 : vector<512x1xf32>
    %tanh3A = math.tanh %sqrt3A : vector<512x1xf32>
    %min3A = arith.constant 0.999989986 : f32
    %min3A_115 = vector.broadcast %min3A : f32 to vector<512x1xf32>
    %min3A_116 = arith.minimumf %tanh3A, %min3A_115 : vector<512x1xf32>
    %div3A = arith.divf %min3A_116, %sqrt3A : vector<512x1xf32>
    %tanh3A_117 = math.tanh %sqrt3A_114 : vector<512x1xf32>
    %min3A_118 = arith.constant 0.999989986 : f32
    %min3A_119 = vector.broadcast %min3A_118 : f32 to vector<512x1xf32>
    %min3A_120 = arith.minimumf %tanh3A_117, %min3A_119 : vector<512x1xf32>
    %div3A_121 = arith.divf %min3A_120, %sqrt3A_114 : vector<512x1xf32>
    %mul3A_122 = arith.mulf %div3A, %div3A : vector<512x1xf32>
    %mul3A_123 = arith.mulf %mul3A_122, %broadcast_in_dim3A_105 : vector<512x1xf32>
    %jit3A_124 = arith.constant 0.000000e+00 : f32
    %jit3A_125 = arith.constant 0.999998986 : f32
    %max3A = vector.broadcast %jit3A_124 : f32 to vector<512x1xf32>
    %max3A_126 = arith.maximumf %max3A, %mul3A_123 : vector<512x1xf32>
    %min3A_127 = vector.broadcast %jit3A_125 : f32 to vector<512x1xf32>
    %min3A_128 = arith.minimumf %min3A_127, %max3A_126 : vector<512x1xf32>
    %mul3A_129 = arith.mulf %div3A_121, %div3A_121 : vector<512x1xf32>
    %mul3A_130 = arith.mulf %mul3A_129, %broadcast_in_dim3A_109 : vector<512x1xf32>
    %jit3A_131 = arith.constant 0.000000e+00 : f32
    %jit3A_132 = arith.constant 0.999998986 : f32
    %max3A_133 = vector.broadcast %jit3A_131 : f32 to vector<512x1xf32>
    %max3A_134 = arith.maximumf %max3A_133, %mul3A_130 : vector<512x1xf32>
    %min3A_135 = vector.broadcast %jit3A_132 : f32 to vector<512x1xf32>
    %min3A_136 = arith.minimumf %min3A_135, %max3A_134 : vector<512x1xf32>
    %mul3A_137 = arith.mulf %div3A, %div3A : vector<512x1xf32>
    %mul3A_138 = arith.mulf %mul3A_137, %broadcast_in_dim3A_105 : vector<512x1xf32>
    %mul3A_139 = arith.mulf %div3A_121, %div3A_121 : vector<512x1xf32>
    %mul3A_140 = arith.mulf %mul3A_139, %broadcast_in_dim3A_109 : vector<512x1xf32>
    %add3A_141 = arith.addf %mul3A_138, %mul3A_140 : vector<512x1xf32>
    %mul3A_142 = arith.constant 2.000000e+00 : f32
    %mul3A_143 = vector.broadcast %mul3A_142 : f32 to vector<512x1xf32>
    %mul3A_144 = arith.mulf %mul3A_143, %div3A : vector<512x1xf32>
    %mul3A_145 = arith.mulf %mul3A_144, %div3A_121 : vector<512x1xf32>
    %mul3A_146 = arith.mulf %mul3A_145, %broadcast_in_dim3A_113 : vector<512x1xf32>
    %sub3A = arith.subf %add3A_141, %mul3A_146 : vector<512x1xf32>
    %max3A_147 = arith.constant 0.000000e+00 : f32
    %max3A_148 = vector.broadcast %max3A_147 : f32 to vector<512x1xf32>
    %max3A_149 = arith.maximumf %sub3A, %max3A_148 : vector<512x1xf32>
    %sub3A_150 = arith.constant 1.000000e+00 : f32
    %sub3A_151 = vector.broadcast %sub3A_150 : f32 to vector<512x1xf32>
    %sub3A_152 = arith.subf %sub3A_151, %min3A_128 : vector<512x1xf32>
    %sub3A_153 = arith.constant 1.000000e+00 : f32
    %sub3A_154 = vector.broadcast %sub3A_153 : f32 to vector<512x1xf32>
    %sub3A_155 = arith.subf %sub3A_154, %min3A_136 : vector<512x1xf32>
    %mul3A_156 = arith.mulf %sub3A_152, %sub3A_155 : vector<512x1xf32>
    %div3A_157 = arith.divf %max3A_149, %mul3A_156 : vector<512x1xf32>
    %mul3A_158 = arith.constant 2.000000e+00 : f32
    %mul3A_159 = vector.broadcast %mul3A_158 : f32 to vector<512x1xf32>
    %mul3A_160 = arith.mulf %mul3A_159, %div3A_157 : vector<512x1xf32>
    %add3A_161 = arith.constant 1.000000e+00 : f32
    %add3A_162 = vector.broadcast %add3A_161 : f32 to vector<512x1xf32>
    %add3A_163 = arith.addf %add3A_162, %mul3A_160 : vector<512x1xf32>
    %mul3A_164 = arith.mulf %add3A_163, %add3A_163 : vector<512x1xf32>
    %sub3A_165 = arith.constant 1.000000e+00 : f32
    %sub3A_166 = vector.broadcast %sub3A_165 : f32 to vector<512x1xf32>
    %sub3A_167 = arith.subf %mul3A_164, %sub3A_166 : vector<512x1xf32>
    %max3A_168 = arith.constant 0.000000e+00 : f32
    %max3A_169 = vector.broadcast %max3A_168 : f32 to vector<512x1xf32>
    %max3A_170 = arith.maximumf %sub3A_167, %max3A_169 : vector<512x1xf32>
    %sqrt3A_171 = math.sqrt %max3A_170 : vector<512x1xf32>
    %add3A_172 = arith.addf %add3A_163, %sqrt3A_171 : vector<512x1xf32>
    %log3A = math.log %add3A_172 : vector<512x1xf32>
    %neg3A = arith.constant 0.000000e+00 : f32
    %neg3A_173 = vector.broadcast %neg3A : f32 to vector<512x1xf32>
    %neg3A_174 = arith.subf %neg3A_173, %log3A : vector<512x1xf32>
    %add3A_175 = arith.addf %neg3A_174, %broadcast_in_dim3A_91 : vector<512x1xf32>
    %swap3A = arith.constant 0 : index
    %swap3A_176 = arith.constant 0 : index
    %swap3A_177 = vector.load %arg10[%swap3A, %swap3A_176] : memref<512x1xf32, #tpu.memory_space<vmem>>, vector<512x1xf32>
    tpu.vector_store %arg10[%swap3A, %swap3A_176], %add3A_175 {strides = array<i32>} : memref<512x1xf32, #tpu.memory_space<vmem>>, vector<512x1xf32>,
    return
  }
  func.func @transform_0(%arg0: i32) -> (i32, i32) {
    %c0_i32 = arith.constant 0 : i32
    %c0_i32_0 = arith.constant 0 : i32
    return %arg0, %c0_i32 : i32, i32
  }
  func.func @transform_1(%arg0: i32) -> (i32, i32) {
    %c0_i32 = arith.constant 0 : i32
    %c0_i32_0 = arith.constant 0 : i32
    return %arg0, %c0_i32 : i32, i32
  }
  func.func @transform_2(%arg0: i32) -> (i32, i32) {
    %c0_i32 = arith.constant 0 : i32
    %c0_i32_0 = arith.constant 0 : i32
    return %arg0, %c0_i32 : i32, i32
  }
  func.func @transform_3(%arg0: i32) -> (i32, i32) {
    %c0_i32 = arith.constant 0 : i32
    %c0_i32_0 = arith.constant 0 : i32
    return %arg0, %c0_i32 : i32, i32
  }
  func.func @transform_4(%arg0: i32) -> (i32, i32) {
    %c0_i32 = arith.constant 0 : i32
    %c0_i32_0 = arith.constant 0 : i32
    return %arg0, %c0_i32 : i32, i32
  }
  func.func @transform_5(%arg0: i32) -> (i32, i32) {
    %c0_i32 = arith.constant 0 : i32
    %c0_i32_0 = arith.constant 0 : i32
    return %arg0, %c0_i32 : i32, i32
  }
  func.func @transform_6(%arg0: i32) -> (i32, i32) {
    %c0_i32 = arith.constant 0 : i32
    %c0_i32_0 = arith.constant 0 : i32
    return %arg0, %c0_i32 : i32, i32
  }
  func.func @transform_7(%arg0: i32) -> (i32, i32) {
    %c0_i32 = arith.constant 0 : i32
    %c0_i32_0 = arith.constant 0 : i32
    return %arg0, %c0_i32 : i32, i32
  }
  func.func @transform_8(%arg0: i32) -> (i32, i32) {
    %c0_i32 = arith.constant 0 : i32
    %c0_i32_0 = arith.constant 0 : i32
    %c0_i32_1 = arith.constant 0 : i32
    return %c0_i32, %c0_i32_0 : i32, i32
  }
  func.func @transform_9(%arg0: i32) -> (i32, i32) {
    %c0_i32 = arith.constant 0 : i32
    %c0_i32_0 = arith.constant 0 : i32
    return %arg0, %c0_i32 : i32, i32
  }
}

</mosaic_0001>

<sc_bundles>
// kernel: kernel.4.cloned.1.call-start
scs
__scs_entry_jumppad:
0x0: {  	(pc) =	sbr.rel $0x88, $3  }
0x1: {  	(tag) =	ssettag $0x0;
	lr =	simm.s32 $0x1  }
0x2: {  	[smem:$0x3F9A] =	sst lr;
	_ =	strace $0xD0000000  }
0x3: {  	_ = 	snop  }
0x4: {  	_ = 	snop  }
0x5: {  	_ = 	snop  }
0x6: {  	_ = 	snop  }
0x7: {  	_ = 	snop  }
__scs_overlays_trampoline_lowered:
0x8: {  	[smem:$0x3FA9] =	sst s0  }
0x9: {  	[smem:$0x3FAA] =	sst s1  }
0xa: {  	[smem:$0x3FAB] =	sst s2  }
0xb: {  	[smem:$0x3FAC] =	sst s3  }
0xc: {  	[smem:$0x3FAD] =	sst s4  }
0xd: {  	[smem:$0x3FAE] =	sst s5  }
0xe: {  	[smem:$0x3FAF] =	sst s6  }
0xf: {  	[smem:$0x3FB0] =	sst s7  }
0x10: {  	[smem:$0x3FB1] =	sst s8  }
0x11: {  	[smem:$0x3FB2] =	sst s9;
	s0 =	simm.s32 @!p0 $0x0  }
0x12: {  	s1 =	sld [smem:$0x3F98];
	s0 =	simm.s32 @p0 $0x1  }
0x13: {  	[smem:$0x3FB3] =	sst s0;
	s0 =	simm.s32 @!p1 $0x0  }
0x14: {  	s2 =	sld [smem:$0x3F97];
	s0 =	simm.s32 @p1 $0x1  }
0x15: {  	[smem:$0x3FB4] =	sst s0;
	s0 =	simm.s32 @!p2 $0x0  }
0x16: {  	s3 =	sld [smem:$0x3FDB];
	s0 =	simm.s32 @p2 $0x1  }
0x17: {  	s4 =	simm.s32 $0x1BF5;
	[smem:$0x3FB6] =	sst s0  }
0x18: {  	s0 =	sld [smem:$0x3F99];
	_ =	swait.ge [sflag:s4], $0x0  }
0x19: {  	s7 =	sld [smem:$0x3F9A]  }
0x1a: {  	s8 =	sadd.s32 $0xFFFFE003, lr  }
0x1b: {  	s9 =	sadd.s32 $0xFFFFFEF7, lr;
	s5 =	simm.s32 $0xFFFFFFFF;
	p2 =	slt.u32 s8, $0xFFFFF086  }
0x1c: {  	p1 =	slt.u32 s9, $0xF7A;
	s5 =	simm.s32 @!p2 $0x0  }
0x1d: {  	s5 =	simm.s32 @p1 $0x1;
	p0 =	seq.s32 s7, s2  }
0x1e: {  	s7 =	smul.u32 @!p0 $0xF7A, s2;
	p2 =	seq.s32 @!p0 s5, $0x0  }
0x1f: {  	s9 =	smul.u32 $0xF7A, s1;
	s8 =	simm.s32 @!p0 $0x1BF5;
	p2 =	por !p2, p0  }
0x20: {  	[sflag:s8] =	ssyncset.s32 @!p0 $0xFFFFF086;
	s6 =	sadd.s32 @!p0 s3, s7;
	s7 =	simm.s32 @!p0 $0x108  }
0x21: {  	s3 =	sadd.s32 s3, s9;
	s6 =	sadd.s32 @!p0 $0x88, s6;
	s7 =	simm.s32 @p2 $0x1082  }
0x22: {  	[simem:s7], [sflag:s8] =	dma.local @!p0 [hbm:s6], $0xF7A  }
0x23: {  	s9 =	sor.u32 $0xD0000000, s2;
	s6 =	simm.s32 $0x108;
	_ =	swait.ge @!p0 [sflag:s8], $0x0  }
0x24: {  	s3 =	sadd.s32 $0x88, s3;
	s6 =	simm.s32 @!p1 $0x1082;
	[sflag:s4] =	ssyncset.s32 $0xFFFFF086  }
0x25: {  	[simem:s6], [sflag:s4] =	dma.local [hbm:s3], $0xF7A  }
0x26: {  	[smem:$0x3F9A] =	sst s1;
	(tag) =	ssettag s2;
	_ =	strace s9  }
0x27: {  	s1 =	sld [smem:$0x3FAA]  }
0x28: {  	s2 =	sld [smem:$0x3FAB]  }
0x29: {  	s4 =	sld [smem:$0x3FAD]  }
0x2a: {  	p0 =	seq.s32 s5, $0x0;
	s5 =	sld [smem:$0x3FAE]  }
0x2b: {  	s6 =	sld [smem:$0x3FAF]  }
0x2c: {  	s7 =	sld [smem:$0x3FB0]  }
0x2d: {  	s3 =	simm.s32 $0x108;
	s8 =	sld [smem:$0x3FB1]  }
0x2e: {  	s3 =	simm.s32 @!p0 $0x1082;
	s9 =	sld [smem:$0x3FB2]  }
0x2f: {  	lr =	sadd.s32 s0, s3;
	s0 =	sld [smem:$0x3FA9]  }
0x30: {  	s3 =	sld [smem:$0x3FAC]  }
0x31: {  	[smem:$0x3FB5] =	sst s10  }
0x32: {  	s10 =	sld [smem:$0x3FB3];
	_ =	sdelay $0x3  }
0x33: {  	p0 =	seq.s32 s10, $0x1;
	s10 =	sld [smem:$0x3FB5];
	_ =	sdelay $0x3  }
0x34: {  	[smem:$0x3FB5] =	sst s10  }
0x35: {  	s10 =	sld [smem:$0x3FB4];
	_ =	sdelay $0x3  }
0x36: {  	p1 =	seq.s32 s10, $0x1;
	s10 =	sld [smem:$0x3FB5];
	_ =	sdelay $0x3  }
0x37: {  	[smem:$0x3FB5] =	sst s10  }
0x38: {  	s10 =	sld [smem:$0x3FB6]  }
0x39: {  	_ = 	snop;
	(pc) =	sbr.ind lr, $3  }
0x3a: {  	_ = 	snop  }
0x3b: {  	_ = 	snop  }
0x3c: {  	p2 =	seq.s32 s10, $0x1;
	s10 =	sld [smem:$0x3FB5]  }
0x3d: {  	_ =	shalt  }
0x3e: {  	_ =	shalt  }
0x3f: {  	_ =	shalt  }
0x40: {  	_ =	shalt  }
0x41: {  	_ =	shalt  }
0x42: {  	_ =	shalt  }
0x43: {  	_ =	shalt  }
0x44: {  	_ =	shalt  }
0x45: {  	_ =	shalt  }
0x46: {  	_ =	shalt  }
0x47: {  	_ =	shalt  }
0x48: {  	_ =	shalt  }
0x49: {  	_ =	shalt  }
0x4a: {  	_ =	shalt  }
0x4b: {  	_ =	shalt  }
0x4c: {  	_ =	shalt  }
0x4d: {  	_ =	shalt  }
0x4e: {  	_ =	shalt  }
0x4f: {  	_ =	shalt  }
0x50: {  	_ =	shalt  }
0x51: {  	_ =	shalt  }
0x52: {  	_ =	shalt  }
0x53: {  	_ =	shalt  }
0x54: {  	_ =	shalt  }
0x55: {  	_ =	shalt  }
0x56: {  	_ =	shalt  }
0x57: {  	_ =	shalt  }
0x58: {  	_ =	shalt  }
0x59: {  	_ =	shalt  }
0x5a: {  	_ =	shalt  }
0x5b: {  	_ =	shalt  }
0x5c: {  	_ =	shalt  }
0x5d: {  	_ =	shalt  }
0x5e: {  	_ =	shalt  }
0x5f: {  	_ =	shalt  }
0x60: {  	_ =	shalt  }
0x61: {  	_ =	shalt  }
0x62: {  	_ =	shalt  }
0x63: {  	_ =	shalt  }
0x64: {  	_ =	shalt  }
0x65: {  	_ =	shalt  }
0x66: {  	_ =	shalt  }
0x67: {  	_ =	shalt  }
0x68: {  	_ =	shalt  }
0x69: {  	_ =	shalt  }
0x6a: {  	_ =	shalt  }
0x6b: {  	_ =	shalt  }
0x6c: {  	_ =	shalt  }
0x6d: {  	_ =	shalt  }
0x6e: {  	_ =	shalt  }
0x6f: {  	_ =	shalt  }
0x70: {  	_ =	shalt  }
0x71: {  	_ =	shalt  }
0x72: {  	_ =	shalt  }
0x73: {  	_ =	shalt  }
0x74: {  	_ =	shalt  }
0x75: {  	_ =	shalt  }
0x76: {  	_ =	shalt  }
0x77: {  	_ =	shalt  }
0x78: {  	_ =	shalt  }
0x79: {  	_ =	shalt  }
0x7a: {  	_ =	shalt  }
0x7b: {  	_ =	shalt  }
0x7c: {  	_ =	shalt  }
0x7d: {  	_ =	shalt  }
0x7e: {  	_ =	shalt  }
0x7f: {  	_ =	shalt  }
0x80: {  	_ =	shalt  }
0x81: {  	_ =	shalt  }
0x82: {  	_ =	shalt  }
0x83: {  	_ =	shalt  }
0x84: {  	_ =	shalt  }
0x85: {  	_ =	shalt  }
0x86: {  	_ =	shalt  }
0x87: {  	_ =	shalt  }
.Lfunc_end0:
.L_simem_size_0:
called_computation_lowered:
.L_overlay_start_0:
0x88: {  	s2 =	sld [smem:$0x3FD9]  }
0x89: {  	s3 =	sld [smem:$0x3FFE];
	_ =	sdelay $0x1  }
0x8a: {  	s1 =	srdreg.scid  }
0x8b: {  	s0 =	sand.u32 $0x1, s1  }
0x8c: {  	s16 =	sshll.u32 s0, $0xA;
	s2 =	sadd.s32 s3, s2  }
0x8d: {  	s2 =	sadd.s32 s2, s16  }
0x8e: {  	[smem:$0x3FC1] =	sst s2  }
0x8f: {  	_ = 	snop  }
0x90: {  	(tm) =	ssettm $0x1  }
0x91: {  	s17 =	sld [smem:$0x3FFB];
	_ =	sdelay $0x3  }
0x92: {  	_ =	strace s17  }
0x93: {  	s2 =	sld [smem:$0x3FFC];
	_ =	sdelay $0x3  }
0x94: {  	_ =	strace s2  }
0x95: {  	s2 =	sld [smem:$0x3FFD];
	_ =	sdelay $0x3  }
0x96: {  	_ =	strace s2  }
0x97: {  	_ =	strace $0x8FFFFFFF  }
0x98: {  	s18 =	sld [smem:$0x3FDB];
	_ =	sdelay $0x1  }
0x99: {  	s19 =	simm.s32 $_scs_section_size  }
0x9a: {  	s4 =	simm.s32 $_size__tile_overlayer_lowered;
	s5 =	simm.s32 $_tile_overlayer_lowered  }
0x9b: {  	s22 =	simm.s32 $0x1BFF;
	s21 =	sshll.u32 s5, $0x1;
	s2 =	sadd.s32 s19, s18  }
0x9c: {  	s6 =	simm.s32 $0x0;
	s20 =	sshll.u32 s4, $0x1;
	s4 =	sadd.s32 s21, s2  }
0x9d: {  	[timem:s6], [sflag:s22] =	dma.local [hbm:s4], s20  }
0x9e: {  	_ =	swait.ge [sflag:s22], s20  }
0x9f: {  	s3 =	ssub.s32 $0x0, s20;
	[sflag:s22] =	ssyncset.done $0x0  }
0xa0: {  	[sflag:s22] =	ssyncadd.s32 s3;
	_ =	sdelay $0x1  }
0xa1: {  	s23 =	simm.s32 $0x1B8B  }
0xa2: {  	_ =	swait.ge [sflag:s23], $0x1  }
0xa3: {  	[sflag:s23] =	ssyncset.done $0x0  }
0xa4: {  	s25 =	simm.s32 $0x1B8E;
	s24 =	sld [smem:$0x3FFE];
	[sflag:s23] =	ssyncadd.s32 $0xFFFFFFFF  }
0xa5: {  	s26 =	simm.s32 $execute0_lowered;
	[smem:$0x3FD2] =	sst s25  }
0xa6: {  	s4 =	sshll.u32 s26, $0x1;
	_ =	strace $0x80000046;
	[dreg:$0x1] =	wrdreg $0xFFFFFFFF  }
0xa7: {  	s28 =	simm.s32 $_size_execute0_lowered;
	s2 =	sadd.s32 s2, s4;
	[dreg:$0x0] =	wrdreg $0x0  }
0xa8: {  	s4 =	sshll.u32 s28, $0x1;
	[dreg:$0x2] =	wrdreg s2  }
0xa9: {  	[dreg:$0x3] =	wrdreg s4  }
0xaa: {  	[dreg:$0x4] =	wrdreg $0xC0  }
0xab: {  	_ =	task [dreg:s6], $0x5FFFF  }
0xac: {  	[dreg:$0x1] =	wrdreg $0xFFFFFFFF  }
0xad: {  	[dreg:$0x0] =	wrdreg $0x60  }
0xae: {  	[dreg:$0x2] =	wrdreg s24  }
0xaf: {  	[dreg:$0x3] =	wrdreg $0x9  }
0xb0: {  	_ =	task.clear_ibuf [dreg:s6], $0x4FFFF;
	_ =	strace $0x90000046  }
0xb1: {  	s29 =	simm.s32 $0x9;
	_ =	strace $0x80000048  }
0xb2: {  	_ =	swait.ge [sflag:s29], $0x1  }
0xb3: {  	[sflag:s29] =	ssyncadd.s32 $0xFFFFFFFF  }
0xb4: {  	_ =	strace $0x90000048  }
0xb5: {  	_ =	sfence  }
0xb6: {  	s30 =	sld [smem:$0x0];
	_ =	sdelay $0x2  }
0xb7: {  	s31 =	sshll.u32 s1, $0xD;
	s1 =	sshrl.u32 s1, $0x2  }
0xb8: {  	s3 =	sand.u32 $0x4000, s31;
	s1 =	sadd.s32 s1, s30  }
0xb9: {  	s0 =	sor.u32 s3, s0;
	s1 =	sshll.u32 s1, $0x11  }
0xba: {  	s0 =	sor.u32 s1, s0  }
0xbb: {  	s0 =	sadd.s32 $0x8F2B, s0  }
0xbc: {  	[sflag:s0] =	ssyncadd.remote.s32 $0x1  }
0xbd: {  	_ =	sfence.sel $0xFFFF  }
0xbe: {  	[dreg:$0x0] =	wrdreg $0xFFFFFFFF;
	(pc) =	sbr.abs _section_cstart, $3  }
0xbf: {  	[dreg:$0x1] =	wrdreg $0xFFFFFFFF  }
0xc0: {  	_ =	task.clear_ibuf [dreg:s6], $0x2FFFF;
	_ =	strace $0x9FFFFFFF  }
0xc1: {  	(tm) =	ssettm $0x7FFFFFFF  }
tec
execute0_lowered:
.L_overlay_start_1:
0x0: {  	(tag) =	ssettag $0x1  }
0x1: {  	s0 =	srdreg.scid  }
0x2: {  	s6 =	stileid.u32;
	s1 =	rddreg [dreg:$0x0]  }
0x3: {  	s2 =	simm.s32 $0x0;
	s29 =	simm.s32 $0x200;
	s30 =	simm.s32 $0x400  }
0x4: {  	s31 =	simm.s32 $0x600;
	s28 =	simm.s32 $0x680;
	p0 =	por $0x0, $0x0  }
0x5: {  	s0 =	sand.u32 $0x1, s0;
	s3 =	sshll.u32 s6, $0x7;
	[smem:$0x7FF] =	sst s2  }
0x6: {  	s5 =	sadd.s32 $0x23600, s1;
	s6 =	sshll.u32 s6, $0xE;
	s11 =	sadd.s32 $0xA3600, s1  }
0x7: {  	s12 =	sadd.s32 $0xE3600, s1;
	s10 =	sadd.s32 $0x3400, s1;
	s7 =	sshll.u32 s0, $0xD  }
0x8: {  	s4 =	sshll.u32 s0, $0x6;
	_ =	strace $0x80000047;
	s26 =	sor.u32 s7, s6  }
0x9: {  	s0 =	ssub.s32 $0x2, s0;
	s7 =	sadd.s32 $0x63600, s1;
	s13 =	sadd.s32 s5, s26  }
0xa: {  	s3 =	sor.u32 s4, s3;
	s14 =	sadd.s32 s7, s26;
	[dreg:$0x6] =	wrdreg s13  }
0xb: {  	s6 =	sadd.s32 $0x1316200, s1;
	s15 =	sadd.s32 s11, s26;
	[dreg:$0x7] =	wrdreg s14  }
0xc: {  	s3 =	sadd.s32 s3, s1;
	s16 =	sadd.s32 s12, s26;
	[dreg:$0x8] =	wrdreg s15  }
0xd: {  	s8 =	sor.u32 $0x800, s26;
	s23 =	sadd.s32 $0x22E00, s3;
	[dreg:$0x9] =	wrdreg s16  }
0xe: {  	s9 =	sor.u32 $0x1000, s26;
	s24 =	sadd.s32 $0x22600, s3;
	[dreg:$0x2] =	wrdreg s23  }
0xf: {  	s26 =	sor.u32 $0x1800, s26;
	s25 =	sadd.s32 $0x2C00, s3;
	[dreg:$0x3] =	wrdreg s24  }
0x10: {  	s3 =	sadd.s32 $0x2400, s3;
	s17 =	sadd.s32 s5, s8;
	[dreg:$0x4] =	wrdreg s25  }
0x11: {  	s18 =	sadd.s32 s7, s8;
	s19 =	sadd.s32 s11, s8;
	[dreg:$0x5] =	wrdreg s3  }
0x12: {  	s20 =	sadd.s32 s12, s8;
	s8 =	sadd.s32 $0xF45800, s1;
	[dreg:$0xa] =	wrdreg s17  }
0x13: {  	s21 =	sadd.s32 s5, s9;
	s22 =	sadd.s32 s7, s9;
	[dreg:$0xb] =	wrdreg s18  }
0x14: {  	s7 =	sadd.s32 s7, s26;
	s4 =	sadd.s32 s12, s26;
	[dreg:$0xc] =	wrdreg s19  }
0x15: {  	s16 =	simm.s32 $0x80;
	s14 =	simm.s32 $0x800;
	[dreg:$0xd] =	wrdreg s20  }
0x16: {  	s13 =	simm.s32 $0x4800;
	s15 =	simm.s32 $0x1;
	[dreg:$0xe] =	wrdreg s21  }
0x17: {  	[dreg:$0xf] =	wrdreg s22;
	s23 =	sadd.s32 s11, s9;
	s24 =	sshrl.u32 s0, $0x1  }
0x18: {  	s25 =	sadd.s32 s12, s9;
	s9 =	sadd.s32 s5, s26;
	s0 =	ssub.s32 s0, s24  }
0x19: {  	s5 =	sadd.s32 s11, s26;
	s3 =	simm.s32 $0x2;
	s0 =	smax.u32 s0, $0x1  }
0x1a: {  	s12 =	simm.s32 $0x8800;
	s11 =	simm.s32 $0xC800;
	p1 =	sne.s32 s0, $0x1  }
.Ltmp0:
0x1b: {  	s26 =	simm.s32 $0x480;
	s21 =	simm.s32 $0x100;
	(pc) =	sbr.rel @!p1 .LBB2_3-.Ltmp0, $4  }
0x1c: {  	s22 =	simm.s32 $0x300;
	s17 =	simm.s32 $0x180;
	s18 =	simm.s32 $0x380  }
0x1d: {  	s19 =	simm.s32 $0x580;
	s20 =	simm.s32 $0x780;
	[dreg:$0x10] =	wrdreg s23  }
0x1e: {  	[dreg:$0x11] =	wrdreg s25;
	s25 =	simm.s32 $0x280;
	s23 =	simm.s32 $0x500  }
0x1f: {  	s24 =	simm.s32 $0x700;
	s1 =	sadd.s32 $0xFFFFFFFF, s0;
	s0 =	rddreg [dreg:$0x2]  }
0x20: {  	[tilespmem:s2], [sflag:$0x2] =	stream.linear.gather [hbm4b:s0+s2], $0x200, $0x38;
	[tilespmem:$0x10800] =	vst v63  }
0x21: {  	_ =	swait.ge [sflag:s3], $0x200  }
0x22: {  	[sflag:s3] =	ssyncset.done $0x0  }
0x23: {  	s0 =	rddreg [dreg:$0x3];
	[sflag:s3] =	ssyncadd.s32 $0xFFFFFE00  }
0x24: {  	[tilespmem:s29], [sflag:$0x2] =	stream.linear.gather [hbm4b:s0+s2], $0x200, $0x38;
	[tilespmem:$0x10800] =	vst v63  }
0x25: {  	_ =	swait.ge [sflag:s3], $0x200  }
0x26: {  	[sflag:s3] =	ssyncset.done $0x0  }
0x27: {  	s0 =	rddreg [dreg:$0x4];
	[sflag:s3] =	ssyncadd.s32 $0xFFFFFE00  }
0x28: {  	[tilespmem:s30], [sflag:$0x2] =	stream.linear.gather [hbm4b:s0+s2], $0x200, $0x38;
	[tilespmem:$0x10800] =	vst v63  }
0x29: {  	_ =	swait.ge [sflag:s3], $0x200  }
0x2a: {  	[sflag:s3] =	ssyncset.done $0x0  }
0x2b: {  	s0 =	rddreg [dreg:$0x5];
	[sflag:s3] =	ssyncadd.s32 $0xFFFFFE00  }
0x2c: {  	[tilespmem:s31], [sflag:$0x2] =	stream.linear.gather [hbm4b:s0+s2], $0x200, $0x38;
	[tilespmem:$0x10800] =	vst v63  }
0x2d: {  	_ =	swait.ge [sflag:s3], $0x200  }
0x2e: {  	[sflag:s3] =	ssyncset.done $0x0  }
0x2f: {  	[sflag:s3] =	ssyncadd.s32 $0xFFFFFE00  }
0x30: {  	[tilespmem:s14], [sflag:$0x1] =	stream.indirect.gather [hbm4b:s6+s16], $0x80, s2, s16, $0xb8;
	[tilespmem:$0x10800] =	vst v63  }
0x31: {  	_ = 	snop  }
0x32: {  	[tilespmem:s13], [sflag:$0x1] =	stream.indirect.gather [hbm4b:s8+s16], $0x80, s29, s16, $0xb8;
	[tilespmem:$0x10800] =	vst v63  }
0x33: {  	_ = 	snop  }
0x34: {  	[tilespmem:s12], [sflag:$0x1] =	stream.indirect.gather [hbm4b:s8+s16], $0x80, s30, s16, $0xb8;
	[tilespmem:$0x10800] =	vst v63  }
0x35: {  	_ = 	snop  }
0x36: {  	[tilespmem:s11], [sflag:$0x1] =	stream.indirect.gather [hbm4b:s10+s16], $0x80, s31, s16, $0xb8;
	[tilespmem:$0x10800] =	vst v63  }
0x37: {  	_ =	swait.ge [sflag:s15], $0x4000  }
0x38: {  	[sflag:s15] =	ssyncset.done $0x0  }
0x39: {  	[sflag:s15] =	ssyncadd.s32 $0xFFFFC000  }
0x3a: {  	_ =	swait.ge [sflag:s15], $0x4000  }
0x3b: {  	[sflag:s15] =	ssyncset.done $0x0  }
0x3c: {  	[sflag:s15] =	ssyncadd.s32 $0xFFFFC000  }
0x3d: {  	_ =	swait.ge [sflag:s15], $0x4000  }
0x3e: {  	[sflag:s15] =	ssyncset.done $0x0  }
0x3f: {  	[sflag:s15] =	ssyncadd.s32 $0xFFFFC000  }
0x40: {  	_ =	swait.ge [sflag:s15], $0x4000  }
0x41: {  	[sflag:s15] =	ssyncset.done $0x0  }
0x42: {  	s0 =	rddreg [dreg:$0x6];
	[sflag:s15] =	ssyncadd.s32 $0xFFFFC000  }
0x43: {  	[hbm4b:s0+s2] =	stream.linear.scatter [tilespmem:s14], [sflag:$0x2], $0x4000, $0x38;
	[tilespmem:$0x10800] =	vst v63  }
0x44: {  	_ =	swait.ge [sflag:s3], $0x4000  }
0x45: {  	[sflag:s3] =	ssyncset.done $0x0  }
0x46: {  	s0 =	rddreg [dreg:$0x7];
	[sflag:s3] =	ssyncadd.s32 $0xFFFFC000  }
0x47: {  	[hbm4b:s0+s2] =	stream.linear.scatter [tilespmem:s13], [sflag:$0x2], $0x4000, $0x38;
	[tilespmem:$0x10800] =	vst v63  }
0x48: {  	_ =	swait.ge [sflag:s3], $0x4000  }
0x49: {  	[sflag:s3] =	ssyncset.done $0x0  }
0x4a: {  	s0 =	rddreg [dreg:$0x8];
	[sflag:s3] =	ssyncadd.s32 $0xFFFFC000  }
0x4b: {  	[hbm4b:s0+s2] =	stream.linear.scatter [tilespmem:s12], [sflag:$0x2], $0x4000, $0x38;
	[tilespmem:$0x10800] =	vst v63  }
0x4c: {  	_ =	swait.ge [sflag:s3], $0x4000  }
0x4d: {  	[sflag:s3] =	ssyncset.done $0x0  }
0x4e: {  	s0 =	rddreg [dreg:$0x9];
	[sflag:s3] =	ssyncadd.s32 $0xFFFFC000  }
0x4f: {  	[hbm4b:s0+s2] =	stream.linear.scatter [tilespmem:s11], [sflag:$0x2], $0x4000, $0x38;
	[tilespmem:$0x10800] =	vst v63  }
0x50: {  	_ =	swait.ge [sflag:s3], $0x4000  }
0x51: {  	[sflag:s3] =	ssyncset.done $0x0  }
0x52: {  	[sflag:s3] =	ssyncadd.s32 $0xFFFFC000  }
0x53: {  	[tilespmem:s14], [sflag:$0x1] =	stream.indirect.gather [hbm4b:s6+s16], $0x80, s16, s16, $0xb8;
	[tilespmem:$0x10800] =	vst v63  }
0x54: {  	_ = 	snop  }
0x55: {  	[tilespmem:s13], [sflag:$0x1] =	stream.indirect.gather [hbm4b:s8+s16], $0x80, s25, s16, $0xb8;
	[tilespmem:$0x10800] =	vst v63  }
0x56: {  	_ = 	snop  }
0x57: {  	[tilespmem:s12], [sflag:$0x1] =	stream.indirect.gather [hbm4b:s8+s16], $0x80, s26, s16, $0xb8;
	[tilespmem:$0x10800] =	vst v63  }
0x58: {  	_ = 	snop  }
0x59: {  	[tilespmem:s11], [sflag:$0x1] =	stream.indirect.gather [hbm4b:s10+s16], $0x80, s28, s16, $0xb8;
	[tilespmem:$0x10800] =	vst v63  }
0x5a: {  	_ =	swait.ge [sflag:s15], $0x4000  }
0x5b: {  	[sflag:s15] =	ssyncset.done $0x0  }
0x5c: {  	[sflag:s15] =	ssyncadd.s32 $0xFFFFC000  }
0x5d: {  	_ =	swait.ge [sflag:s15], $0x4000  }
0x5e: {  	[sflag:s15] =	ssyncset.done $0x0  }
0x5f: {  	[sflag:s15] =	ssyncadd.s32 $0xFFFFC000  }
0x60: {  	_ =	swait.ge [sflag:s15], $0x4000  }
0x61: {  	[sflag:s15] =	ssyncset.done $0x0  }
0x62: {  	[sflag:s15] =	ssyncadd.s32 $0xFFFFC000  }
0x63: {  	_ =	swait.ge [sflag:s15], $0x4000  }
0x64: {  	[sflag:s15] =	ssyncset.done $0x0  }
0x65: {  	s0 =	rddreg [dreg:$0xa];
	[sflag:s15] =	ssyncadd.s32 $0xFFFFC000  }
0x66: {  	[hbm4b:s0+s2] =	stream.linear.scatter [tilespmem:s14], [sflag:$0x2], $0x4000, $0x38;
	[tilespmem:$0x10800] =	vst v63  }
0x67: {  	_ =	swait.ge [sflag:s3], $0x4000  }
0x68: {  	[sflag:s3] =	ssyncset.done $0x0  }
0x69: {  	s0 =	rddreg [dreg:$0xb];
	[sflag:s3] =	ssyncadd.s32 $0xFFFFC000  }
0x6a: {  	[hbm4b:s0+s2] =	stream.linear.scatter [tilespmem:s13], [sflag:$0x2], $0x4000, $0x38;
	[tilespmem:$0x10800] =	vst v63  }
0x6b: {  	_ =	swait.ge [sflag:s3], $0x4000  }
0x6c: {  	[sflag:s3] =	ssyncset.done $0x0  }
0x6d: {  	s0 =	rddreg [dreg:$0xc];
	[sflag:s3] =	ssyncadd.s32 $0xFFFFC000  }
0x6e: {  	[hbm4b:s0+s2] =	stream.linear.scatter [tilespmem:s12], [sflag:$0x2], $0x4000, $0x38;
	[tilespmem:$0x10800] =	vst v63  }
0x6f: {  	_ =	swait.ge [sflag:s3], $0x4000  }
0x70: {  	[sflag:s3] =	ssyncset.done $0x0  }
0x71: {  	s0 =	rddreg [dreg:$0xd];
	[sflag:s3] =	ssyncadd.s32 $0xFFFFC000  }
0x72: {  	[hbm4b:s0+s2] =	stream.linear.scatter [tilespmem:s11], [sflag:$0x2], $0x4000, $0x38;
	[tilespmem:$0x10800] =	vst v63  }
0x73: {  	_ =	swait.ge [sflag:s3], $0x4000  }
0x74: {  	[sflag:s3] =	ssyncset.done $0x0  }
0x75: {  	[sflag:s3] =	ssyncadd.s32 $0xFFFFC000  }
0x76: {  	[tilespmem:s14], [sflag:$0x1] =	stream.indirect.gather [hbm4b:s6+s16], $0x80, s21, s16, $0xb8;
	[tilespmem:$0x10800] =	vst v63  }
0x77: {  	_ = 	snop  }
0x78: {  	[tilespmem:s13], [sflag:$0x1] =	stream.indirect.gather [hbm4b:s8+s16], $0x80, s22, s16, $0xb8;
	[tilespmem:$0x10800] =	vst v63  }
0x79: {  	_ = 	snop  }
0x7a: {  	[tilespmem:s12], [sflag:$0x1] =	stream.indirect.gather [hbm4b:s8+s16], $0x80, s23, s16, $0xb8;
	[tilespmem:$0x10800] =	vst v63  }
0x7b: {  	_ = 	snop  }
0x7c: {  	[tilespmem:s11], [sflag:$0x1] =	stream.indirect.gather [hbm4b:s10+s16], $0x80, s24, s16, $0xb8;
	[tilespmem:$0x10800] =	vst v63  }
0x7d: {  	_ =	swait.ge [sflag:s15], $0x4000  }
0x7e: {  	[sflag:s15] =	ssyncset.done $0x0  }
0x7f: {  	[sflag:s15] =	ssyncadd.s32 $0xFFFFC000  }
0x80: {  	_ =	swait.ge [sflag:s15], $0x4000  }
0x81: {  	[sflag:s15] =	ssyncset.done $0x0  }
0x82: {  	[sflag:s15] =	ssyncadd.s32 $0xFFFFC000  }
0x83: {  	_ =	swait.ge [sflag:s15], $0x4000  }
0x84: {  	[sflag:s15] =	ssyncset.done $0x0  }
0x85: {  	[sflag:s15] =	ssyncadd.s32 $0xFFFFC000  }
0x86: {  	_ =	swait.ge [sflag:s15], $0x4000  }
0x87: {  	[sflag:s15] =	ssyncset.done $0x0  }
0x88: {  	s0 =	rddreg [dreg:$0xe];
	[sflag:s15] =	ssyncadd.s32 $0xFFFFC000  }
0x89: {  	[hbm4b:s0+s2] =	stream.linear.scatter [tilespmem:s14], [sflag:$0x2], $0x4000, $0x38;
	[tilespmem:$0x10800] =	vst v63  }
0x8a: {  	_ =	swait.ge [sflag:s3], $0x4000  }
0x8b: {  	[sflag:s3] =	ssyncset.done $0x0  }
0x8c: {  	s0 =	rddreg [dreg:$0xf];
	[sflag:s3] =	ssyncadd.s32 $0xFFFFC000  }
0x8d: {  	[hbm4b:s0+s2] =	stream.linear.scatter [tilespmem:s13], [sflag:$0x2], $0x4000, $0x38;
	[tilespmem:$0x10800] =	vst v63  }
0x8e: {  	_ =	swait.ge [sflag:s3], $0x4000  }
0x8f: {  	[sflag:s3] =	ssyncset.done $0x0  }
0x90: {  	s0 =	rddreg [dreg:$0x10];
	[sflag:s3] =	ssyncadd.s32 $0xFFFFC000  }
0x91: {  	[hbm4b:s0+s2] =	stream.linear.scatter [tilespmem:s12], [sflag:$0x2], $0x4000, $0x38;
	[tilespmem:$0x10800] =	vst v63  }
0x92: {  	_ =	swait.ge [sflag:s3], $0x4000  }
0x93: {  	[sflag:s3] =	ssyncset.done $0x0  }
0x94: {  	s0 =	rddreg [dreg:$0x11];
	[sflag:s3] =	ssyncadd.s32 $0xFFFFC000  }
0x95: {  	[hbm4b:s0+s2] =	stream.linear.scatter [tilespmem:s11], [sflag:$0x2], $0x4000, $0x38;
	[tilespmem:$0x10800] =	vst v63  }
0x96: {  	_ =	swait.ge [sflag:s3], $0x4000  }
0x97: {  	[sflag:s3] =	ssyncset.done $0x0  }
0x98: {  	[sflag:s3] =	ssyncadd.s32 $0xFFFFC000  }
0x99: {  	[tilespmem:s14], [sflag:$0x1] =	stream.indirect.gather [hbm4b:s6+s16], $0x80, s17, s16, $0xb8;
	[tilespmem:$0x10800] =	vst v63  }
0x9a: {  	_ = 	snop  }
0x9b: {  	[tilespmem:s13], [sflag:$0x1] =	stream.indirect.gather [hbm4b:s8+s16], $0x80, s18, s16, $0xb8;
	[tilespmem:$0x10800] =	vst v63  }
0x9c: {  	_ = 	snop  }
0x9d: {  	[tilespmem:s12], [sflag:$0x1] =	stream.indirect.gather [hbm4b:s8+s16], $0x80, s19, s16, $0xb8;
	[tilespmem:$0x10800] =	vst v63  }
0x9e: {  	_ = 	snop  }
0x9f: {  	[tilespmem:s11], [sflag:$0x1] =	stream.indirect.gather [hbm4b:s10+s16], $0x80, s20, s16, $0xb8;
	[tilespmem:$0x10800] =	vst v63  }
0xa0: {  	_ =	swait.ge [sflag:s15], $0x4000  }
0xa1: {  	[sflag:s15] =	ssyncset.done $0x0  }
0xa2: {  	[sflag:s15] =	ssyncadd.s32 $0xFFFFC000  }
0xa3: {  	_ =	swait.ge [sflag:s15], $0x4000  }
0xa4: {  	[sflag:s15] =	ssyncset.done $0x0  }
0xa5: {  	[sflag:s15] =	ssyncadd.s32 $0xFFFFC000  }
0xa6: {  	_ =	swait.ge [sflag:s15], $0x4000  }
0xa7: {  	[sflag:s15] =	ssyncset.done $0x0  }
0xa8: {  	[sflag:s15] =	ssyncadd.s32 $0xFFFFC000  }
0xa9: {  	_ =	swait.ge [sflag:s15], $0x4000  }
0xaa: {  	[sflag:s15] =	ssyncset.done $0x0  }
0xab: {  	[sflag:s15] =	ssyncadd.s32 $0xFFFFC000  }
0xac: {  	[hbm4b:s9+s2] =	stream.linear.scatter [tilespmem:s14], [sflag:$0x2], $0x4000, $0x38;
	[tilespmem:$0x10800] =	vst v63  }
0xad: {  	_ =	swait.ge [sflag:s3], $0x4000  }
0xae: {  	[sflag:s3] =	ssyncset.done $0x0  }
0xaf: {  	[sflag:s3] =	ssyncadd.s32 $0xFFFFC000  }
0xb0: {  	[hbm4b:s7+s2] =	stream.linear.scatter [tilespmem:s13], [sflag:$0x2], $0x4000, $0x38;
	[tilespmem:$0x10800] =	vst v63  }
0xb1: {  	_ =	swait.ge [sflag:s3], $0x4000  }
0xb2: {  	[sflag:s3] =	ssyncset.done $0x0  }
0xb3: {  	[sflag:s3] =	ssyncadd.s32 $0xFFFFC000  }
0xb4: {  	[hbm4b:s5+s2] =	stream.linear.scatter [tilespmem:s12], [sflag:$0x2], $0x4000, $0x38;
	[tilespmem:$0x10800] =	vst v63  }
0xb5: {  	p1 =	sne.s32 s1, $0x1;
	_ =	swait.ge [sflag:s3], $0x4000  }
.Ltmp1:
0xb6: {  	[sflag:s3] =	ssyncset.done $0x0;
	(pc) =	sbr.rel @!p1 .LBB2_3-.Ltmp1, $4  }
0xb7: {  	[sflag:s3] =	ssyncadd.s32 $0xFFFFC000  }
0xb8: {  	[hbm4b:s4+s2] =	stream.linear.scatter [tilespmem:s11], [sflag:$0x2], $0x4000, $0x38;
	[tilespmem:$0x10800] =	vst v63  }
0xb9: {  	s1 =	sadd.s32 $0xFFFFFFFF, s1;
	_ =	swait.ge [sflag:s3], $0x4000  }
0xba: {  	p0 =	por $0x1, $0x1;
	s0 =	rddreg [dreg:$0x2];
	[sflag:s3] =	ssyncset.done $0x0  }
.LBB2_2:
0xbb: {  	[sflag:s3] =	ssyncadd.s32 $0xFFFFC000  }
0xbc: {  	[tilespmem:s2], [sflag:$0x2] =	stream.linear.gather [hbm4b:s0+s2], $0x200, $0x38;
	[tilespmem:$0x10800] =	vst v63  }
0xbd: {  	_ =	swait.ge [sflag:s3], $0x200  }
0xbe: {  	[sflag:s3] =	ssyncset.done $0x0  }
0xbf: {  	s0 =	rddreg [dreg:$0x3];
	[sflag:s3] =	ssyncadd.s32 $0xFFFFFE00  }
0xc0: {  	[tilespmem:s29], [sflag:$0x2] =	stream.linear.gather [hbm4b:s0+s2], $0x200, $0x38;
	[tilespmem:$0x10800] =	vst v63  }
0xc1: {  	_ =	swait.ge [sflag:s3], $0x200  }
0xc2: {  	[sflag:s3] =	ssyncset.done $0x0  }
0xc3: {  	s0 =	rddreg [dreg:$0x4];
	[sflag:s3] =	ssyncadd.s32 $0xFFFFFE00  }
0xc4: {  	[tilespmem:s30], [sflag:$0x2] =	stream.linear.gather [hbm4b:s0+s2], $0x200, $0x38;
	[tilespmem:$0x10800] =	vst v63  }
0xc5: {  	_ =	swait.ge [sflag:s3], $0x200  }
0xc6: {  	[sflag:s3] =	ssyncset.done $0x0  }
0xc7: {  	s0 =	rddreg [dreg:$0x5];
	[sflag:s3] =	ssyncadd.s32 $0xFFFFFE00  }
0xc8: {  	[tilespmem:s31], [sflag:$0x2] =	stream.linear.gather [hbm4b:s0+s2], $0x200, $0x38;
	[tilespmem:$0x10800] =	vst v63  }
0xc9: {  	_ =	swait.ge [sflag:s3], $0x200  }
0xca: {  	[sflag:s3] =	ssyncset.done $0x0  }
0xcb: {  	[sflag:s3] =	ssyncadd.s32 $0xFFFFFE00  }
0xcc: {  	[tilespmem:s14], [sflag:$0x1] =	stream.indirect.gather [hbm4b:s6+s16], $0x80, s2, s16, $0xb8;
	[tilespmem:$0x10800] =	vst v63  }
0xcd: {  	_ = 	snop  }
0xce: {  	[tilespmem:s13], [sflag:$0x1] =	stream.indirect.gather [hbm4b:s8+s16], $0x80, s29, s16, $0xb8;
	[tilespmem:$0x10800] =	vst v63  }
0xcf: {  	_ = 	snop  }
0xd0: {  	[tilespmem:s12], [sflag:$0x1] =	stream.indirect.gather [hbm4b:s8+s16], $0x80, s30, s16, $0xb8;
	[tilespmem:$0x10800] =	vst v63  }
0xd1: {  	_ = 	snop  }
0xd2: {  	[tilespmem:s11], [sflag:$0x1] =	stream.indirect.gather [hbm4b:s10+s16], $0x80, s31, s16, $0xb8;
	[tilespmem:$0x10800] =	vst v63  }
0xd3: {  	_ =	swait.ge [sflag:s15], $0x4000  }
0xd4: {  	[sflag:s15] =	ssyncset.done $0x0  }
0xd5: {  	[sflag:s15] =	ssyncadd.s32 $0xFFFFC000  }
0xd6: {  	_ =	swait.ge [sflag:s15], $0x4000  }
0xd7: {  	[sflag:s15] =	ssyncset.done $0x0  }
0xd8: {  	[sflag:s15] =	ssyncadd.s32 $0xFFFFC000  }
0xd9: {  	_ =	swait.ge [sflag:s15], $0x4000  }
0xda: {  	[sflag:s15] =	ssyncset.done $0x0  }
0xdb: {  	[sflag:s15] =	ssyncadd.s32 $0xFFFFC000  }
0xdc: {  	_ =	swait.ge [sflag:s15], $0x4000  }
0xdd: {  	[sflag:s15] =	ssyncset.done $0x0  }
0xde: {  	s0 =	rddreg [dreg:$0x6];
	[sflag:s15] =	ssyncadd.s32 $0xFFFFC000  }
0xdf: {  	[hbm4b:s0+s2] =	stream.linear.scatter [tilespmem:s14], [sflag:$0x2], $0x4000, $0x38;
	[tilespmem:$0x10800] =	vst v63  }
0xe0: {  	_ =	swait.ge [sflag:s3], $0x4000  }
0xe1: {  	[sflag:s3] =	ssyncset.done $0x0  }
0xe2: {  	s0 =	rddreg [dreg:$0x7];
	[sflag:s3] =	ssyncadd.s32 $0xFFFFC000  }
0xe3: {  	[hbm4b:s0+s2] =	stream.linear.scatter [tilespmem:s13], [sflag:$0x2], $0x4000, $0x38;
	[tilespmem:$0x10800] =	vst v63  }
0xe4: {  	_ =	swait.ge [sflag:s3], $0x4000  }
0xe5: {  	[sflag:s3] =	ssyncset.done $0x0  }
0xe6: {  	s0 =	rddreg [dreg:$0x8];
	[sflag:s3] =	ssyncadd.s32 $0xFFFFC000  }
0xe7: {  	[hbm4b:s0+s2] =	stream.linear.scatter [tilespmem:s12], [sflag:$0x2], $0x4000, $0x38;
	[tilespmem:$0x10800] =	vst v63  }
0xe8: {  	_ =	swait.ge [sflag:s3], $0x4000  }
0xe9: {  	[sflag:s3] =	ssyncset.done $0x0  }
0xea: {  	s0 =	rddreg [dreg:$0x9];
	[sflag:s3] =	ssyncadd.s32 $0xFFFFC000  }
0xeb: {  	[hbm4b:s0+s2] =	stream.linear.scatter [tilespmem:s11], [sflag:$0x2], $0x4000, $0x38;
	[tilespmem:$0x10800] =	vst v63  }
0xec: {  	_ =	swait.ge [sflag:s3], $0x4000  }
0xed: {  	[sflag:s3] =	ssyncset.done $0x0  }
0xee: {  	[sflag:s3] =	ssyncadd.s32 $0xFFFFC000  }
0xef: {  	[tilespmem:s14], [sflag:$0x1] =	stream.indirect.gather [hbm4b:s6+s16], $0x80, s16, s16, $0xb8;
	[tilespmem:$0x10800] =	vst v63  }
0xf0: {  	_ = 	snop  }
0xf1: {  	[tilespmem:s13], [sflag:$0x1] =	stream.indirect.gather [hbm4b:s8+s16], $0x80, s25, s16, $0xb8;
	[tilespmem:$0x10800] =	vst v63  }
0xf2: {  	_ = 	snop  }
0xf3: {  	[tilespmem:s12], [sflag:$0x1] =	stream.indirect.gather [hbm4b:s8+s16], $0x80, s26, s16, $0xb8;
	[tilespmem:$0x10800] =	vst v63  }
0xf4: {  	_ = 	snop  }
0xf5: {  	[tilespmem:s11], [sflag:$0x1] =	stream.indirect.gather [hbm4b:s10+s16], $0x80, s28, s16, $0xb8;
	[tilespmem:$0x10800] =	vst v63  }
0xf6: {  	_ =	swait.ge [sflag:s15], $0x4000  }
0xf7: {  	[sflag:s15] =	ssyncset.done $0x0  }
0xf8: {  	[sflag:s15] =	ssyncadd.s32 $0xFFFFC000  }
0xf9: {  	_ =	swait.ge [sflag:s15], $0x4000  }
0xfa: {  	[sflag:s15] =	ssyncset.done $0x0  }
0xfb: {  	[sflag:s15] =	ssyncadd.s32 $0xFFFFC000  }
0xfc: {  	_ =	swait.ge [sflag:s15], $0x4000  }
0xfd: {  	[sflag:s15] =	ssyncset.done $0x0  }
0xfe: {  	[sflag:s15] =	ssyncadd.s32 $0xFFFFC000  }
0xff: {  	_ =	swait.ge [sflag:s15], $0x4000  }
0x100: {  	[sflag:s15] =	ssyncset.done $0x0  }
0x101: {  	s0 =	rddreg [dreg:$0xa];
	[sflag:s15] =	ssyncadd.s32 $0xFFFFC000  }
0x102: {  	[hbm4b:s0+s2] =	stream.linear.scatter [tilespmem:s14], [sflag:$0x2], $0x4000, $0x38;
	[tilespmem:$0x10800] =	vst v63  }
0x103: {  	_ =	swait.ge [sflag:s3], $0x4000  }
0x104: {  	[sflag:s3] =	ssyncset.done $0x0  }
0x105: {  	s0 =	rddreg [dreg:$0xb];
	[sflag:s3] =	ssyncadd.s32 $0xFFFFC000  }
0x106: {  	[hbm4b:s0+s2] =	stream.linear.scatter [tilespmem:s13], [sflag:$0x2], $0x4000, $0x38;
	[tilespmem:$0x10800] =	vst v63  }
0x107: {  	_ =	swait.ge [sflag:s3], $0x4000  }
0x108: {  	[sflag:s3] =	ssyncset.done $0x0  }
0x109: {  	s0 =	rddreg [dreg:$0xc];
	[sflag:s3] =	ssyncadd.s32 $0xFFFFC000  }
0x10a: {  	[hbm4b:s0+s2] =	stream.linear.scatter [tilespmem:s12], [sflag:$0x2], $0x4000, $0x38;
	[tilespmem:$0x10800] =	vst v63  }
0x10b: {  	_ =	swait.ge [sflag:s3], $0x4000  }
0x10c: {  	[sflag:s3] =	ssyncset.done $0x0  }
0x10d: {  	s0 =	rddreg [dreg:$0xd];
	[sflag:s3] =	ssyncadd.s32 $0xFFFFC000  }
0x10e: {  	[hbm4b:s0+s2] =	stream.linear.scatter [tilespmem:s11], [sflag:$0x2], $0x4000, $0x38;
	[tilespmem:$0x10800] =	vst v63  }
0x10f: {  	_ =	swait.ge [sflag:s3], $0x4000  }
0x110: {  	[sflag:s3] =	ssyncset.done $0x0  }
0x111: {  	[sflag:s3] =	ssyncadd.s32 $0xFFFFC000  }
0x112: {  	[tilespmem:s14], [sflag:$0x1] =	stream.indirect.gather [hbm4b:s6+s16], $0x80, s21, s16, $0xb8;
	[tilespmem:$0x10800] =	vst v63  }
0x113: {  	_ = 	snop  }
0x114: {  	[tilespmem:s13], [sflag:$0x1] =	stream.indirect.gather [hbm4b:s8+s16], $0x80, s22, s16, $0xb8;
	[tilespmem:$0x10800] =	vst v63  }
0x115: {  	_ = 	snop  }
0x116: {  	[tilespmem:s12], [sflag:$0x1] =	stream.indirect.gather [hbm4b:s8+s16], $0x80, s23, s16, $0xb8;
	[tilespmem:$0x10800] =	vst v63  }
0x117: {  	_ = 	snop  }
0x118: {  	[tilespmem:s11], [sflag:$0x1] =	stream.indirect.gather [hbm4b:s10+s16], $0x80, s24, s16, $0xb8;
	[tilespmem:$0x10800] =	vst v63  }
0x119: {  	_ =	swait.ge [sflag:s15], $0x4000  }
0x11a: {  	[sflag:s15] =	ssyncset.done $0x0  }
0x11b: {  	[sflag:s15] =	ssyncadd.s32 $0xFFFFC000  }
0x11c: {  	_ =	swait.ge [sflag:s15], $0x4000  }
0x11d: {  	[sflag:s15] =	ssyncset.done $0x0  }
0x11e: {  	[sflag:s15] =	ssyncadd.s32 $0xFFFFC000  }
0x11f: {  	_ =	swait.ge [sflag:s15], $0x4000  }
0x120: {  	[sflag:s15] =	ssyncset.done $0x0  }
0x121: {  	[sflag:s15] =	ssyncadd.s32 $0xFFFFC000  }
0x122: {  	_ =	swait.ge [sflag:s15], $0x4000  }
0x123: {  	[sflag:s15] =	ssyncset.done $0x0  }
0x124: {  	s0 =	rddreg [dreg:$0xe];
	[sflag:s15] =	ssyncadd.s32 $0xFFFFC000  }
0x125: {  	[hbm4b:s0+s2] =	stream.linear.scatter [tilespmem:s14], [sflag:$0x2], $0x4000, $0x38;
	[tilespmem:$0x10800] =	vst v63  }
0x126: {  	_ =	swait.ge [sflag:s3], $0x4000  }
0x127: {  	[sflag:s3] =	ssyncset.done $0x0  }
0x128: {  	s0 =	rddreg [dreg:$0xf];
	[sflag:s3] =	ssyncadd.s32 $0xFFFFC000  }
0x129: {  	[hbm4b:s0+s2] =	stream.linear.scatter [tilespmem:s13], [sflag:$0x2], $0x4000, $0x38;
	[tilespmem:$0x10800] =	vst v63  }
0x12a: {  	_ =	swait.ge [sflag:s3], $0x4000  }
0x12b: {  	[sflag:s3] =	ssyncset.done $0x0  }
0x12c: {  	s0 =	rddreg [dreg:$0x10];
	[sflag:s3] =	ssyncadd.s32 $0xFFFFC000  }
0x12d: {  	[hbm4b:s0+s2] =	stream.linear.scatter [tilespmem:s12], [sflag:$0x2], $0x4000, $0x38;
	[tilespmem:$0x10800] =	vst v63  }
0x12e: {  	_ =	swait.ge [sflag:s3], $0x4000  }
0x12f: {  	[sflag:s3] =	ssyncset.done $0x0  }
0x130: {  	s0 =	rddreg [dreg:$0x11];
	[sflag:s3] =	ssyncadd.s32 $0xFFFFC000  }
0x131: {  	[hbm4b:s0+s2] =	stream.linear.scatter [tilespmem:s11], [sflag:$0x2], $0x4000, $0x38;
	[tilespmem:$0x10800] =	vst v63  }
0x132: {  	_ =	swait.ge [sflag:s3], $0x4000  }
0x133: {  	[sflag:s3] =	ssyncset.done $0x0  }
0x134: {  	[sflag:s3] =	ssyncadd.s32 $0xFFFFC000  }
0x135: {  	[tilespmem:s14], [sflag:$0x1] =	stream.indirect.gather [hbm4b:s6+s16], $0x80, s17, s16, $0xb8;
	[tilespmem:$0x10800] =	vst v63  }
0x136: {  	_ = 	snop  }
0x137: {  	[tilespmem:s13], [sflag:$0x1] =	stream.indirect.gather [hbm4b:s8+s16], $0x80, s18, s16, $0xb8;
	[tilespmem:$0x10800] =	vst v63  }
0x138: {  	_ = 	snop  }
0x139: {  	[tilespmem:s12], [sflag:$0x1] =	stream.indirect.gather [hbm4b:s8+s16], $0x80, s19, s16, $0xb8;
	[tilespmem:$0x10800] =	vst v63  }
0x13a: {  	_ = 	snop  }
0x13b: {  	[tilespmem:s11], [sflag:$0x1] =	stream.indirect.gather [hbm4b:s10+s16], $0x80, s20, s16, $0xb8;
	[tilespmem:$0x10800] =	vst v63  }
0x13c: {  	_ =	swait.ge [sflag:s15], $0x4000  }
0x13d: {  	[sflag:s15] =	ssyncset.done $0x0  }
0x13e: {  	[sflag:s15] =	ssyncadd.s32 $0xFFFFC000  }
0x13f: {  	_ =	swait.ge [sflag:s15], $0x4000  }
0x140: {  	[sflag:s15] =	ssyncset.done $0x0  }
0x141: {  	[sflag:s15] =	ssyncadd.s32 $0xFFFFC000  }
0x142: {  	_ =	swait.ge [sflag:s15], $0x4000  }
0x143: {  	[sflag:s15] =	ssyncset.done $0x0  }
0x144: {  	[sflag:s15] =	ssyncadd.s32 $0xFFFFC000  }
0x145: {  	_ =	swait.ge [sflag:s15], $0x4000  }
0x146: {  	[sflag:s15] =	ssyncset.done $0x0  }
0x147: {  	[sflag:s15] =	ssyncadd.s32 $0xFFFFC000  }
0x148: {  	[hbm4b:s9+s2] =	stream.linear.scatter [tilespmem:s14], [sflag:$0x2], $0x4000, $0x38;
	[tilespmem:$0x10800] =	vst v63  }
0x149: {  	_ =	swait.ge [sflag:s3], $0x4000  }
0x14a: {  	[sflag:s3] =	ssyncset.done $0x0  }
0x14b: {  	[sflag:s3] =	ssyncadd.s32 $0xFFFFC000  }
0x14c: {  	[hbm4b:s7+s2] =	stream.linear.scatter [tilespmem:s13], [sflag:$0x2], $0x4000, $0x38;
	[tilespmem:$0x10800] =	vst v63  }
0x14d: {  	_ =	swait.ge [sflag:s3], $0x4000  }
0x14e: {  	[sflag:s3] =	ssyncset.done $0x0  }
0x14f: {  	[sflag:s3] =	ssyncadd.s32 $0xFFFFC000  }
0x150: {  	[hbm4b:s5+s2] =	stream.linear.scatter [tilespmem:s12], [sflag:$0x2], $0x4000, $0x38;
	[tilespmem:$0x10800] =	vst v63  }
0x151: {  	p1 =	sne.s32 s1, $0x1;
	_ =	swait.ge [sflag:s3], $0x4000  }
.Ltmp2:
0x152: {  	[sflag:s3] =	ssyncset.done $0x0;
	(pc) =	sbr.rel @p1 .LBB2_2-.Ltmp2, $4  }
0x153: {  	[sflag:s3] =	ssyncadd.s32 $0xFFFFC000  }
0x154: {  	[hbm4b:s4+s2] =	stream.linear.scatter [tilespmem:s11], [sflag:$0x2], $0x4000, $0x38;
	[tilespmem:$0x10800] =	vst v63  }
0x155: {  	_ =	swait.ge [sflag:s3], $0x4000  }
0x156: {  	s1 =	sadd.s32 $0xFFFFFFFF, s1;
	s0 =	rddreg [dreg:$0x2];
	[sflag:s3] =	ssyncset.done $0x0  }
.LBB2_3:
0x157: {  	[sflag:s3] =	ssyncadd.s32 @p0 $0xFFFFC000  }
0x158: {  	[tilespmem:s2], [sflag:$0x2] =	stream.linear.gather [hbm4b:s0+s2], $0x200, $0x38;
	[tilespmem:$0x10800] =	vst v63  }
0x159: {  	_ =	swait.ge [sflag:s3], $0x200  }
0x15a: {  	[sflag:s3] =	ssyncset.done $0x0  }
0x15b: {  	s1 =	rddreg [dreg:$0x3];
	[sflag:s3] =	ssyncadd.s32 $0xFFFFFE00  }
0x15c: {  	[tilespmem:s29], [sflag:$0x2] =	stream.linear.gather [hbm4b:s1+s2], $0x200, $0x38;
	[tilespmem:$0x10800] =	vst v63  }
0x15d: {  	_ =	swait.ge [sflag:s3], $0x200  }
0x15e: {  	[sflag:s3] =	ssyncset.done $0x0  }
0x15f: {  	s1 =	rddreg [dreg:$0x4];
	[sflag:s3] =	ssyncadd.s32 $0xFFFFFE00  }
0x160: {  	[tilespmem:s30], [sflag:$0x2] =	stream.linear.gather [hbm4b:s1+s2], $0x200, $0x38;
	[tilespmem:$0x10800] =	vst v63  }
0x161: {  	_ =	swait.ge [sflag:s3], $0x200  }
0x162: {  	[sflag:s3] =	ssyncset.done $0x0  }
0x163: {  	s1 =	rddreg [dreg:$0x5];
	[sflag:s3] =	ssyncadd.s32 $0xFFFFFE00  }
0x164: {  	[tilespmem:s31], [sflag:$0x2] =	stream.linear.gather [hbm4b:s1+s2], $0x200, $0x38;
	[tilespmem:$0x10800] =	vst v63  }
0x165: {  	_ =	swait.ge [sflag:s3], $0x200  }
0x166: {  	[sflag:s3] =	ssyncset.done $0x0  }
0x167: {  	[sflag:s3] =	ssyncadd.s32 $0xFFFFFE00  }
0x168: {  	[tilespmem:s14], [sflag:$0x1] =	stream.indirect.gather [hbm4b:s6+s16], $0x80, s2, s16, $0xb8;
	[tilespmem:$0x10800] =	vst v63  }
0x169: {  	_ = 	snop  }
0x16a: {  	[tilespmem:s13], [sflag:$0x1] =	stream.indirect.gather [hbm4b:s8+s16], $0x80, s29, s16, $0xb8;
	[tilespmem:$0x10800] =	vst v63  }
0x16b: {  	_ = 	snop  }
0x16c: {  	[tilespmem:s12], [sflag:$0x1] =	stream.indirect.gather [hbm4b:s8+s16], $0x80, s30, s16, $0xb8;
	[tilespmem:$0x10800] =	vst v63  }
0x16d: {  	_ = 	snop  }
0x16e: {  	[tilespmem:s11], [sflag:$0x1] =	stream.indirect.gather [hbm4b:s10+s16], $0x80, s31, s16, $0xb8;
	[tilespmem:$0x10800] =	vst v63  }
0x16f: {  	_ =	swait.ge [sflag:s15], $0x4000  }
0x170: {  	[sflag:s15] =	ssyncset.done $0x0  }
0x171: {  	[sflag:s15] =	ssyncadd.s32 $0xFFFFC000  }
0x172: {  	_ =	swait.ge [sflag:s15], $0x4000  }
0x173: {  	[sflag:s15] =	ssyncset.done $0x0  }
0x174: {  	[sflag:s15] =	ssyncadd.s32 $0xFFFFC000  }
0x175: {  	_ =	swait.ge [sflag:s15], $0x4000  }
0x176: {  	[sflag:s15] =	ssyncset.done $0x0  }
0x177: {  	[sflag:s15] =	ssyncadd.s32 $0xFFFFC000  }
0x178: {  	_ =	swait.ge [sflag:s15], $0x4000  }
0x179: {  	[sflag:s15] =	ssyncset.done $0x0  }
0x17a: {  	s30 =	rddreg [dreg:$0x6];
	[sflag:s15] =	ssyncadd.s32 $0xFFFFC000  }
0x17b: {  	[hbm4b:s30+s2] =	stream.linear.scatter [tilespmem:s14], [sflag:$0x2], $0x4000, $0x38;
	[tilespmem:$0x10800] =	vst v63  }
0x17c: {  	_ =	swait.ge [sflag:s3], $0x4000  }
0x17d: {  	[sflag:s3] =	ssyncset.done $0x0  }
0x17e: {  	s31 =	rddreg [dreg:$0x7];
	[sflag:s3] =	ssyncadd.s32 $0xFFFFC000  }
0x17f: {  	[hbm4b:s31+s2] =	stream.linear.scatter [tilespmem:s13], [sflag:$0x2], $0x4000, $0x38;
	[tilespmem:$0x10800] =	vst v63  }
0x180: {  	_ =	swait.ge [sflag:s3], $0x4000  }
0x181: {  	[sflag:s3] =	ssyncset.done $0x0  }
0x182: {  	s1 =	rddreg [dreg:$0x8];
	[sflag:s3] =	ssyncadd.s32 $0xFFFFC000  }
0x183: {  	[hbm4b:s1+s2] =	stream.linear.scatter [tilespmem:s12], [sflag:$0x2], $0x4000, $0x38;
	[tilespmem:$0x10800] =	vst v63  }
0x184: {  	_ =	swait.ge [sflag:s3], $0x4000  }
0x185: {  	[sflag:s3] =	ssyncset.done $0x0  }
0x186: {  	s29 =	rddreg [dreg:$0x9];
	[sflag:s3] =	ssyncadd.s32 $0xFFFFC000  }
0x187: {  	[hbm4b:s29+s2] =	stream.linear.scatter [tilespmem:s11], [sflag:$0x2], $0x4000, $0x38;
	[tilespmem:$0x10800] =	vst v63  }
0x188: {  	_ =	swait.ge [sflag:s3], $0x4000  }
0x189: {  	[sflag:s3] =	ssyncset.done $0x0  }
0x18a: {  	[sflag:s3] =	ssyncadd.s32 $0xFFFFC000  }
0x18b: {  	[tilespmem:s14], [sflag:$0x1] =	stream.indirect.gather [hbm4b:s6+s16], $0x80, s16, s16, $0xb8;
	[tilespmem:$0x10800] =	vst v63  }
0x18c: {  	_ = 	snop  }
0x18d: {  	[tilespmem:s13], [sflag:$0x1] =	stream.indirect.gather [hbm4b:s8+s16], $0x80, s25, s16, $0xb8;
	[tilespmem:$0x10800] =	vst v63  }
0x18e: {  	_ = 	snop  }
0x18f: {  	[tilespmem:s12], [sflag:$0x1] =	stream.indirect.gather [hbm4b:s8+s16], $0x80, s26, s16, $0xb8;
	[tilespmem:$0x10800] =	vst v63  }
0x190: {  	_ = 	snop  }
0x191: {  	[tilespmem:s11], [sflag:$0x1] =	stream.indirect.gather [hbm4b:s10+s16], $0x80, s28, s16, $0xb8;
	[tilespmem:$0x10800] =	vst v63  }
0x192: {  	_ =	swait.ge [sflag:s15], $0x4000  }
0x193: {  	[sflag:s15] =	ssyncset.done $0x0  }
0x194: {  	[sflag:s15] =	ssyncadd.s32 $0xFFFFC000  }
0x195: {  	_ =	swait.ge [sflag:s15], $0x4000  }
0x196: {  	[sflag:s15] =	ssyncset.done $0x0  }
0x197: {  	[sflag:s15] =	ssyncadd.s32 $0xFFFFC000  }
0x198: {  	_ =	swait.ge [sflag:s15], $0x4000  }
0x199: {  	[sflag:s15] =	ssyncset.done $0x0  }
0x19a: {  	[sflag:s15] =	ssyncadd.s32 $0xFFFFC000  }
0x19b: {  	_ =	swait.ge [sflag:s15], $0x4000  }
0x19c: {  	[sflag:s15] =	ssyncset.done $0x0  }
0x19d: {  	s30 =	rddreg [dreg:$0xa];
	[sflag:s15] =	ssyncadd.s32 $0xFFFFC000  }
0x19e: {  	[hbm4b:s30+s2] =	stream.linear.scatter [tilespmem:s14], [sflag:$0x2], $0x4000, $0x38;
	[tilespmem:$0x10800] =	vst v63  }
0x19f: {  	_ =	swait.ge [sflag:s3], $0x4000  }
0x1a0: {  	[sflag:s3] =	ssyncset.done $0x0  }
0x1a1: {  	s31 =	rddreg [dreg:$0xb];
	[sflag:s3] =	ssyncadd.s32 $0xFFFFC000  }
0x1a2: {  	[hbm4b:s31+s2] =	stream.linear.scatter [tilespmem:s13], [sflag:$0x2], $0x4000, $0x38;
	[tilespmem:$0x10800] =	vst v63  }
0x1a3: {  	_ =	swait.ge [sflag:s3], $0x4000  }
0x1a4: {  	[sflag:s3] =	ssyncset.done $0x0  }
0x1a5: {  	s1 =	rddreg [dreg:$0xc];
	[sflag:s3] =	ssyncadd.s32 $0xFFFFC000  }
0x1a6: {  	[hbm4b:s1+s2] =	stream.linear.scatter [tilespmem:s12], [sflag:$0x2], $0x4000, $0x38;
	[tilespmem:$0x10800] =	vst v63  }
0x1a7: {  	_ =	swait.ge [sflag:s3], $0x4000  }
0x1a8: {  	[sflag:s3] =	ssyncset.done $0x0  }
0x1a9: {  	s25 =	rddreg [dreg:$0xd];
	[sflag:s3] =	ssyncadd.s32 $0xFFFFC000  }
0x1aa: {  	[hbm4b:s25+s2] =	stream.linear.scatter [tilespmem:s11], [sflag:$0x2], $0x4000, $0x38;
	[tilespmem:$0x10800] =	vst v63  }
0x1ab: {  	_ =	swait.ge [sflag:s3], $0x4000  }
0x1ac: {  	[sflag:s3] =	ssyncset.done $0x0  }
0x1ad: {  	[sflag:s3] =	ssyncadd.s32 $0xFFFFC000  }
0x1ae: {  	[tilespmem:s14], [sflag:$0x1] =	stream.indirect.gather [hbm4b:s6+s16], $0x80, s21, s16, $0xb8;
	[tilespmem:$0x10800] =	vst v63  }
0x1af: {  	_ = 	snop  }
0x1b0: {  	[tilespmem:s13], [sflag:$0x1] =	stream.indirect.gather [hbm4b:s8+s16], $0x80, s22, s16, $0xb8;
	[tilespmem:$0x10800] =	vst v63  }
0x1b1: {  	_ = 	snop  }
0x1b2: {  	[tilespmem:s12], [sflag:$0x1] =	stream.indirect.gather [hbm4b:s8+s16], $0x80, s23, s16, $0xb8;
	[tilespmem:$0x10800] =	vst v63  }
0x1b3: {  	_ = 	snop  }
0x1b4: {  	[tilespmem:s11], [sflag:$0x1] =	stream.indirect.gather [hbm4b:s10+s16], $0x80, s24, s16, $0xb8;
	[tilespmem:$0x10800] =	vst v63  }
0x1b5: {  	_ =	swait.ge [sflag:s15], $0x4000  }
0x1b6: {  	[sflag:s15] =	ssyncset.done $0x0  }
0x1b7: {  	[sflag:s15] =	ssyncadd.s32 $0xFFFFC000  }
0x1b8: {  	_ =	swait.ge [sflag:s15], $0x4000  }
0x1b9: {  	[sflag:s15] =	ssyncset.done $0x0  }
0x1ba: {  	[sflag:s15] =	ssyncadd.s32 $0xFFFFC000  }
0x1bb: {  	_ =	swait.ge [sflag:s15], $0x4000  }
0x1bc: {  	[sflag:s15] =	ssyncset.done $0x0  }
0x1bd: {  	[sflag:s15] =	ssyncadd.s32 $0xFFFFC000  }
0x1be: {  	_ =	swait.ge [sflag:s15], $0x4000  }
0x1bf: {  	[sflag:s15] =	ssyncset.done $0x0  }
0x1c0: {  	s26 =	rddreg [dreg:$0xe];
	[sflag:s15] =	ssyncadd.s32 $0xFFFFC000  }
0x1c1: {  	[hbm4b:s26+s2] =	stream.linear.scatter [tilespmem:s14], [sflag:$0x2], $0x4000, $0x38;
	[tilespmem:$0x10800] =	vst v63  }
0x1c2: {  	_ =	swait.ge [sflag:s3], $0x4000  }
0x1c3: {  	[sflag:s3] =	ssyncset.done $0x0  }
0x1c4: {  	s28 =	rddreg [dreg:$0xf];
	[sflag:s3] =	ssyncadd.s32 $0xFFFFC000  }
0x1c5: {  	[hbm4b:s28+s2] =	stream.linear.scatter [tilespmem:s13], [sflag:$0x2], $0x4000, $0x38;
	[tilespmem:$0x10800] =	vst v63  }
0x1c6: {  	_ =	swait.ge [sflag:s3], $0x4000  }
0x1c7: {  	[sflag:s3] =	ssyncset.done $0x0  }
0x1c8: {  	s29 =	rddreg [dreg:$0x10];
	[sflag:s3] =	ssyncadd.s32 $0xFFFFC000  }
0x1c9: {  	[hbm4b:s29+s2] =	stream.linear.scatter [tilespmem:s12], [sflag:$0x2], $0x4000, $0x38;
	[tilespmem:$0x10800] =	vst v63  }
0x1ca: {  	_ =	swait.ge [sflag:s3], $0x4000  }
0x1cb: {  	[sflag:s3] =	ssyncset.done $0x0  }
0x1cc: {  	s30 =	rddreg [dreg:$0x11];
	[sflag:s3] =	ssyncadd.s32 $0xFFFFC000  }
0x1cd: {  	[hbm4b:s30+s2] =	stream.linear.scatter [tilespmem:s11], [sflag:$0x2], $0x4000, $0x38;
	[tilespmem:$0x10800] =	vst v63  }
0x1ce: {  	_ =	swait.ge [sflag:s3], $0x4000  }
0x1cf: {  	[sflag:s3] =	ssyncset.done $0x0  }
0x1d0: {  	[sflag:s3] =	ssyncadd.s32 $0xFFFFC000  }
0x1d1: {  	[tilespmem:s14], [sflag:$0x1] =	stream.indirect.gather [hbm4b:s6+s16], $0x80, s17, s16, $0xb8;
	[tilespmem:$0x10800] =	vst v63  }
0x1d2: {  	_ = 	snop  }
0x1d3: {  	[tilespmem:s13], [sflag:$0x1] =	stream.indirect.gather [hbm4b:s8+s16], $0x80, s18, s16, $0xb8;
	[tilespmem:$0x10800] =	vst v63  }
0x1d4: {  	_ = 	snop  }
0x1d5: {  	[tilespmem:s12], [sflag:$0x1] =	stream.indirect.gather [hbm4b:s8+s16], $0x80, s19, s16, $0xb8;
	[tilespmem:$0x10800] =	vst v63  }
0x1d6: {  	_ = 	snop  }
0x1d7: {  	[tilespmem:s11], [sflag:$0x1] =	stream.indirect.gather [hbm4b:s10+s16], $0x80, s20, s16, $0xb8;
	[tilespmem:$0x10800] =	vst v63  }
0x1d8: {  	_ =	swait.ge [sflag:s15], $0x4000  }
0x1d9: {  	[sflag:s15] =	ssyncset.done $0x0  }
0x1da: {  	[sflag:s15] =	ssyncadd.s32 $0xFFFFC000  }
0x1db: {  	_ =	swait.ge [sflag:s15], $0x4000  }
0x1dc: {  	[sflag:s15] =	ssyncset.done $0x0  }
0x1dd: {  	[sflag:s15] =	ssyncadd.s32 $0xFFFFC000  }
0x1de: {  	_ =	swait.ge [sflag:s15], $0x4000  }
0x1df: {  	[sflag:s15] =	ssyncset.done $0x0  }
0x1e0: {  	[sflag:s15] =	ssyncadd.s32 $0xFFFFC000  }
0x1e1: {  	_ =	swait.ge [sflag:s15], $0x4000  }
0x1e2: {  	[sflag:s15] =	ssyncset.done $0x0  }
0x1e3: {  	[sflag:s15] =	ssyncadd.s32 $0xFFFFC000  }
0x1e4: {  	[hbm4b:s9+s2] =	stream.linear.scatter [tilespmem:s14], [sflag:$0x2], $0x4000, $0x38;
	[tilespmem:$0x10800] =	vst v63  }
0x1e5: {  	_ =	swait.ge [sflag:s3], $0x4000  }
0x1e6: {  	[sflag:s3] =	ssyncset.done $0x0  }
0x1e7: {  	[sflag:s3] =	ssyncadd.s32 $0xFFFFC000  }
0x1e8: {  	[hbm4b:s7+s2] =	stream.linear.scatter [tilespmem:s13], [sflag:$0x2], $0x4000, $0x38;
	[tilespmem:$0x10800] =	vst v63  }
0x1e9: {  	_ =	swait.ge [sflag:s3], $0x4000  }
0x1ea: {  	[sflag:s3] =	ssyncset.done $0x0  }
0x1eb: {  	[sflag:s3] =	ssyncadd.s32 $0xFFFFC000  }
0x1ec: {  	[hbm4b:s5+s2] =	stream.linear.scatter [tilespmem:s12], [sflag:$0x2], $0x4000, $0x38;
	[tilespmem:$0x10800] =	vst v63  }
0x1ed: {  	_ =	swait.ge [sflag:s3], $0x4000  }
0x1ee: {  	[sflag:s3] =	ssyncset.done $0x0  }
0x1ef: {  	[sflag:s3] =	ssyncadd.s32 $0xFFFFC000  }
0x1f0: {  	[hbm4b:s4+s2] =	stream.linear.scatter [tilespmem:s11], [sflag:$0x2], $0x4000, $0x38;
	[tilespmem:$0x10800] =	vst v63  }
0x1f1: {  	_ =	swait.ge [sflag:s3], $0x4000  }
0x1f2: {  	[sflag:s3] =	ssyncset.done $0x0  }
0x1f3: {  	[sflag:s3] =	ssyncadd.s32 $0xFFFFC000  }
0x1f4: {  	_ =	sfence.sel $0x180000  }
0x1f5: {  	[bflag:$0x0] =	sbarrier.arrive $0xFFFF  }
0x1f6: {  	_ =	strace $0x90000047  }
0x1f7: {  	s31 =	stileid.u32;
	[bflag:$0x2] =	sbarrier.arrive $0xFFFF  }
0x1f8: {  	p0 =	sne.s32 s31, $0x0;
	s0 =	rddreg [dreg:$0x1]  }
0x1f9: {  	s0 =	sadd.s32 @!p0 $0x100000, s0  }
0x1fa: {  	[sflag:s0] =	ssyncadd.tile.s32 @!p0 $0x1;
	_ =	shalt  }
.Lfunc_end2:
_tile_overlayer_lowered:
.L_overlay_start_2:
0x1fb: {  	(tag) =	ssettag $0x2  }
0x1fc: {  	s0 =	rddreg [dreg:$0x0];
	s2 =	stileid.u32  }
0x1fd: {  	s1 =	rddreg [dreg:$0x1];
	p0 =	sne.s32 s2, $0x0  }
0x1fe: {  	s3 =	rddreg [dreg:$0x2];
	[bflag:$0x3] =	sbarrier.arrive $0xFFFF;
	s2 =	simm.s32 @!p0 $0x1C02  }
0x1ff: {  	[timem:s3], [sflag:s2] =	dma.local @!p0 [hbm:s0], s1  }
0x200: {  	s0 =	simm.s32 @!p0 $0x2  }
0x201: {  	_ =	swait.ge @!p0 [sflag:s0], s1  }
0x202: {  	s1 =	ssub.s32 @!p0 $0x0, s1;
	[sflag:s0] =	ssyncset.done @!p0 $0x0  }
0x203: {  	[sflag:s0] =	ssyncadd.s32 @!p0 s1  }
0x204: {  	[bflag:$0x3] =	sbarrier.arrive $0xFFFF  }
0x205: {  	_ =	shalt  }

</sc_bundles>
